<compile_context>
chip_gen: v7x
topology: tpu7x:2x2x1
jax: 0.10.2.dev20260603
libtpu: 0.0.44.dev20260713+nightly
codegen_flags: <defaults>
</compile_context>

<pallas_src>
import functools

import jax
import jax.numpy as jnp
from jax import lax
from jax.experimental import pallas as pl
from jax.experimental.pallas import tpu as pltpu
from jax.experimental.pallas import tpu_sc as plsc

N_NODES = 10000
N_EDGES = 320000
DIM = 128
D_EDGE_DIM = 16
NC = 2
NS = 16
NW = NC * NS
CH = 64
NCHUNK = N_EDGES // CH
CPT = 160
N_PAD = 10240
ROWS_PER_TILE = N_PAD // NS

def _matmul_body(x_ref, w_ref, b_ref, o_ref):
    o_ref[...] = (
        jnp.dot(x_ref[...], w_ref[...], preferred_element_type=jnp.float32)
        + b_ref[...]
    )


def _mm(x, w, b, block_rows):
    n, k = x.shape
    m = w.shape[1]
    grid = n // block_rows
    return pl.pallas_call(
        _matmul_body,
        grid=(grid,),
        in_specs=[
            pl.BlockSpec((block_rows, k), lambda i: (i, 0)),
            pl.BlockSpec((k, m), lambda i: (0, 0)),
            pl.BlockSpec((1, m), lambda i: (0, 0)),
        ],
        out_specs=pl.BlockSpec((block_rows, m), lambda i: (i, 0)),
        out_shape=jax.ShapeDtypeStruct((n, m), jnp.float32),
    )(x, w, b)


def _mp_body(h0_hbm, e_hbm, src_hbm, dst_hbm, out_hbm,
             src_v, dst_v, rows_v, e_v, acc_sh, esem, gsem, dsem, ssem,
             csem):
    cid = lax.axis_index("c")
    sid = lax.axis_index("s")
    wid = sid * NC + cid
    base = wid * CPT

    def zbody(r, _):
        for j in range(DIM // 16):
            rows_v[0][r, pl.ds(j * 16, 16)] = jnp.zeros((16,), jnp.float32)
        return 0
    lax.fori_loop(0, CH, zbody, 0)
    for t in range(ROWS_PER_TILE // CH):
        pltpu.sync_copy(rows_v[0],
                        acc_sh.at[pl.ds(sid * ROWS_PER_TILE + t * CH, CH)])
    plsc.subcore_barrier()

    def prefetch(j, buf):
        @pl.when((j >= 2) & (base + j - 2 < NCHUNK) & (j - 2 < CPT))
        def _():
            pltpu.make_async_copy(rows_v[buf], acc_sh.at[dst_v[buf]],
                                  csem[buf]).wait()

        @pl.when((j < CPT) & (base + j < NCHUNK))
        def _():
            off = (base + j) * CH
            pltpu.async_copy(e_hbm.at[pl.ds(off, CH)], e_v[buf], esem[buf])
            pltpu.async_copy(dst_hbm.at[pl.ds(off, CH)], dst_v[buf],
                             dsem[buf])
            pltpu.async_copy(src_hbm.at[pl.ds(off, CH)], src_v[buf],
                             ssem[buf])

    def gather(j, buf):
        @pl.when((j < CPT) & (base + j < NCHUNK))
        def _():
            pltpu.make_async_copy(src_hbm.at[pl.ds((base + j) * CH, CH)],
                                  src_v[buf], ssem[buf]).wait()
            pltpu.async_copy(h0_hbm.at[src_v[buf]], rows_v[buf], gsem[buf])

    def process(i, buf):
        @pl.when(base + i < NCHUNK)
        def _():
            off = (base + i) * CH
            pltpu.make_async_copy(e_hbm.at[pl.ds(off, CH)], e_v[buf],
                                  esem[buf]).wait()
            pltpu.make_async_copy(dst_hbm.at[pl.ds(off, CH)], dst_v[buf],
                                  dsem[buf]).wait()
            pltpu.make_async_copy(h0_hbm.at[src_v[buf]], rows_v[buf],
                                  gsem[buf]).wait()

            def rbody(r2, _):
                for u in range(2):
                    r = r2 * 2 + u
                    for j in range(DIM // 16):
                        s = pl.ds(j * 16, 16)
                        rows_v[buf][r, s] = jnp.maximum(
                            rows_v[buf][r, s] + e_v[buf][r, s], 0.0)
                return 0
            lax.fori_loop(0, CH // 2, rbody, 0)
            pltpu.async_copy(rows_v[buf], acc_sh.at[dst_v[buf]], csem[buf],
                             add=True)

    prefetch(0, 0)
    gather(0, 0)

    def pair_body(i2, _):
        for b in range(2):
            i = i2 * 2 + b
            prefetch(i + 1, 1 - b)
            gather(i + 1, 1 - b)
            process(i, b)
        return 0

    lax.fori_loop(0, CPT // 2, pair_body, 0)

    @pl.when(base + CPT - 1 < NCHUNK)
    def _():
        pltpu.make_async_copy(rows_v[1], acc_sh.at[dst_v[1]],
                              csem[1]).wait()

    plsc.subcore_barrier()
    pltpu.sync_copy(
        acc_sh.at[pl.ds(sid * ROWS_PER_TILE, ROWS_PER_TILE)],
        out_hbm.at[cid, pl.ds(sid * ROWS_PER_TILE, ROWS_PER_TILE)])


@functools.cache
def _message_passing():
    return functools.partial(
        pl.kernel,
        out_type=jax.ShapeDtypeStruct((NC, N_PAD, DIM), jnp.float32),
        mesh=plsc.VectorSubcoreMesh(
            core_axis_name="c", subcore_axis_name="s",
            num_cores=NC, num_subcores=NS),
        scratch_types=[
            [pltpu.VMEM((CH,), jnp.int32), pltpu.VMEM((CH,), jnp.int32)],
            [pltpu.VMEM((CH,), jnp.int32), pltpu.VMEM((CH,), jnp.int32)],
            [pltpu.VMEM((CH, DIM), jnp.float32),
             pltpu.VMEM((CH, DIM), jnp.float32)],
            [pltpu.VMEM((CH, DIM), jnp.float32),
             pltpu.VMEM((CH, DIM), jnp.float32)],
            pltpu.VMEM_SHARED((N_PAD, DIM), jnp.float32),
            [pltpu.SemaphoreType.DMA, pltpu.SemaphoreType.DMA],
            [pltpu.SemaphoreType.DMA, pltpu.SemaphoreType.DMA],
            [pltpu.SemaphoreType.DMA, pltpu.SemaphoreType.DMA],
            [pltpu.SemaphoreType.DMA, pltpu.SemaphoreType.DMA],
            [pltpu.SemaphoreType.DMA, pltpu.SemaphoreType.DMA],
        ],
    )(_mp_body)


def _mlp_body(h0_ref, a0_ref, a1_ref, w1_ref, b1_ref, w2_ref, b2_ref,
              o_ref, s_ref):
    i = pl.program_id(0)
    h = h0_ref[...] + a0_ref[0] + a1_ref[0]
    t = jnp.maximum(
        jnp.dot(h, w1_ref[...], preferred_element_type=jnp.float32)
        + b1_ref[...], 0.0)
    o = (jnp.dot(t, w2_ref[...], preferred_element_type=jnp.float32)
         + b2_ref[...])
    o_ref[...] = o

    @pl.when(i == 0)
    def _():
        s_ref[...] = jnp.zeros_like(s_ref)

    s_ref[0:1, :] += jnp.sum(o, axis=0, keepdims=True)
    s_ref[1:2, :] += jnp.sum(o * o, axis=0, keepdims=True)


def _bn_body(o_ref, s_ref, g_ref, b_ref, out_ref):
    mean = s_ref[0:1, :] * (1.0 / N_NODES)
    msq = s_ref[1:2, :] * (1.0 / N_NODES)
    var = msq - mean * mean
    inv = lax.rsqrt(var + 1e-5)
    out_ref[...] = (o_ref[...] - mean) * inv * g_ref[...] + b_ref[...]


def kernel(x, edge_index, edge_attr, W_enc, b_enc, W_edge, b_edge,
           W1, b1, W2, b2, gamma, beta):
    src = edge_index[0].astype(jnp.int32)
    dst = edge_index[1].astype(jnp.int32)

    h0 = _mm(x, W_enc, b_enc.reshape(1, -1), 2000)

    e = _mm(edge_attr, W_edge, b_edge.reshape(1, -1), 2560)

    aggr = _message_passing()(h0, e, src, dst)

    br = 2000
    grid = N_NODES // br
    mlp_out, stats = pl.pallas_call(
        _mlp_body,
        grid=(grid,),
        in_specs=[
            pl.BlockSpec((br, DIM), lambda i: (i, 0)),
            pl.BlockSpec((1, br, DIM), lambda i: (0, i, 0)),
            pl.BlockSpec((1, br, DIM), lambda i: (1, i, 0)),
            pl.BlockSpec((DIM, 2 * DIM), lambda i: (0, 0)),
            pl.BlockSpec((1, 2 * DIM), lambda i: (0, 0)),
            pl.BlockSpec((2 * DIM, DIM), lambda i: (0, 0)),
            pl.BlockSpec((1, DIM), lambda i: (0, 0)),
        ],
        out_specs=[
            pl.BlockSpec((br, DIM), lambda i: (i, 0)),
            pl.BlockSpec((2, DIM), lambda i: (0, 0)),
        ],
        out_shape=[
            jax.ShapeDtypeStruct((N_NODES, DIM), jnp.float32),
            jax.ShapeDtypeStruct((2, DIM), jnp.float32),
        ],
    )(h0, aggr, aggr, W1, b1.reshape(1, -1), W2, b2.reshape(1, -1))

    out = pl.pallas_call(
        _bn_body,
        grid=(grid,),
        in_specs=[
            pl.BlockSpec((br, DIM), lambda i: (i, 0)),
            pl.BlockSpec((2, DIM), lambda i: (0, 0)),
            pl.BlockSpec((1, DIM), lambda i: (0, 0)),
            pl.BlockSpec((1, DIM), lambda i: (0, 0)),
        ],
        out_specs=pl.BlockSpec((br, DIM), lambda i: (i, 0)),
        out_shape=jax.ShapeDtypeStruct((N_NODES, DIM), jnp.float32),
    )(mlp_out, stats, gamma.reshape(1, -1), beta.reshape(1, -1))
    return out

# --- scband reference (transcript-rebuilt; emitter-appended) ---
"""Pipeline reference for scband-single-gnn-layer-86234353369690 (READ-ONLY COPY).

The authoritative reference and input builder live on the scoring server;
editing this copy changes nothing except your own understanding.
"""

import jax, jax.numpy as jnp
import numpy as np

N_NODES = 10000
N_EDGES = 320000
IN_DIM = 128
EMB_DIM = 128
D_EDGE = 16


def setup_inputs(seed: int = 0) -> dict:
    key = jax.random.key(seed)
    ks = jax.random.split(key, 12)
    x = jax.random.normal(ks[0], (N_NODES, IN_DIM), dtype=jnp.float32)
    edge_index = jax.random.randint(ks[1], (2, N_EDGES), 0, N_NODES, dtype=jnp.int64)
    edge_attr = jax.random.normal(ks[2], (N_EDGES, D_EDGE), dtype=jnp.float32)
    # FeatureEncoder: Linear(in_dim -> emb_dim)
    W_enc = jax.random.normal(ks[3], (IN_DIM, EMB_DIM), dtype=jnp.float32) * (1.0 / np.sqrt(IN_DIM))
    b_enc = jnp.zeros((EMB_DIM,), dtype=jnp.float32)
    # GIN edge encoder: Linear(d_edge -> emb_dim)
    W_edge = jax.random.normal(ks[4], (D_EDGE, EMB_DIM), dtype=jnp.float32) * (1.0 / np.sqrt(D_EDGE))
    b_edge = jnp.zeros((EMB_DIM,), dtype=jnp.float32)
    # GIN MLP: Linear(emb -> 2*emb), ReLU, Linear(2*emb -> emb)
    W1 = jax.random.normal(ks[5], (EMB_DIM, 2 * EMB_DIM), dtype=jnp.float32) * (1.0 / np.sqrt(EMB_DIM))
    b1 = jnp.zeros((2 * EMB_DIM,), dtype=jnp.float32)
    W2 = jax.random.normal(ks[6], (2 * EMB_DIM, EMB_DIM), dtype=jnp.float32) * (1.0 / np.sqrt(2 * EMB_DIM))
    b2 = jnp.zeros((EMB_DIM,), dtype=jnp.float32)
    # BatchNorm affine params
    gamma = jnp.ones((EMB_DIM,), dtype=jnp.float32)
    beta = jnp.zeros((EMB_DIM,), dtype=jnp.float32)
    return {"x": x, "edge_index": edge_index, "edge_attr": edge_attr,
            "W_enc": W_enc, "b_enc": b_enc, "W_edge": W_edge, "b_edge": b_edge,
            "W1": W1, "b1": b1, "W2": W2, "b2": b2, "gamma": gamma, "beta": beta}


def reference(x, edge_index, edge_attr, W_enc, b_enc, W_edge, b_edge, W1, b1, W2, b2, gamma, beta):
    # FeatureEncoder
    h0 = x @ W_enc + b_enc
    # GINConv: message = relu(h_src + edge_emb), aggregate = sum over dst
    src = edge_index[0]
    dst = edge_index[1]
    e = edge_attr @ W_edge + b_edge
    msg = jax.nn.relu(jnp.take(h0, src, axis=0) + e)
    aggr = jax.ops.segment_sum(msg, dst, num_segments=h0.shape[0])
    # (1 + eps) * h0 + aggr, eps = 0 initially
    h = h0 + aggr
    # MLP
    h = jax.nn.relu(h @ W1 + b1)
    h = h @ W2 + b2
    # BatchNorm1d (training-mode batch statistics)
    mean = jnp.mean(h, axis=0)
    var = jnp.var(h, axis=0)
    h = (h - mean) / jnp.sqrt(var + 1e-5) * gamma + beta
    # dropout with drop_ratio=0.0 is identity; residual=False; JK='last'
    return h

if __name__ == "__main__":
    import jax
    _d = setup_inputs()
    print(jax.jit(kernel)(*tuple(_d.values())))

</pallas_src>

<mosaic_0001>
#map = affine_map<(d0, d1) -> (0, 0)>
#map1 = affine_map<(d0, d1) -> (0)>
#map2 = affine_map<(d0, d1) -> (0, 0, 0)>
module attributes {stable_mosaic.version = 14 : i64} {
  func.func @_mp_body(%arg0: i32, %arg1: i32, %arg2: memref<10000x128xf32, #tpu.memory_space<hbm>>, %arg3: memref<320000x128xf32, #tpu.memory_space<hbm>>, %arg4: memref<320000xi32, #tpu.memory_space<hbm>>, %arg5: memref<320000xi32, #tpu.memory_space<hbm>>, %arg6: memref<2x10240x128xf32, #tpu.memory_space<hbm>>, %arg7: memref<64xi32, #tpu.memory_space<vmem>>, %arg8: memref<64xi32, #tpu.memory_space<vmem>>, %arg9: memref<64xi32, #tpu.memory_space<vmem>>, %arg10: memref<64xi32, #tpu.memory_space<vmem>>, %arg11: memref<64x128xf32, #tpu.memory_space<vmem>>, %arg12: memref<64x128xf32, #tpu.memory_space<vmem>>, %arg13: memref<64x128xf32, #tpu.memory_space<vmem>>, %arg14: memref<64x128xf32, #tpu.memory_space<vmem>>, %arg15: memref<10240x128xf32, #tpu.memory_space<vmem_shared>>, %arg16: memref<!tpu.dma_semaphore, #tpu.memory_space<semaphore_mem>>, %arg17: memref<!tpu.dma_semaphore, #tpu.memory_space<semaphore_mem>>, %arg18: memref<!tpu.dma_semaphore, #tpu.memory_space<semaphore_mem>>, %arg19: memref<!tpu.dma_semaphore, #tpu.memory_space<semaphore_mem>>, %arg20: memref<!tpu.dma_semaphore, #tpu.memory_space<semaphore_mem>>, %arg21: memref<!tpu.dma_semaphore, #tpu.memory_space<semaphore_mem>>, %arg22: memref<!tpu.dma_semaphore, #tpu.memory_space<semaphore_mem>>, %arg23: memref<!tpu.dma_semaphore, #tpu.memory_space<semaphore_mem>>, %arg24: memref<!tpu.dma_semaphore, #tpu.memory_space<semaphore_mem>>, %arg25: memref<!tpu.dma_semaphore, #tpu.memory_space<semaphore_mem>>) attributes {dimension_semantics = [#tpu.dimension_semantics<core_parallel>, #tpu.dimension_semantics<subcore_parallel>], iteration_bounds = array<i64: 2, 16>, scalar_prefetch = 0 : i64, scratch_operands = 19 : i64, tpu.core_type = #tpu.core_type<sc_vector_subcore>, window_params = [{transform_indices = #map}, {transform_indices = #map}, {transform_indices = #map1}, {transform_indices = #map1}, {transform_indices = #map2}]} {
    %mul3A = arith.constant 2 : i32
    %mul3A_0 = arith.muli %arg1, %mul3A : i32
    %add3A = arith.addi %mul3A_0, %arg0 : i32
    %mul3A_1 = arith.constant 160 : i32
    %mul3A_2 = arith.muli %add3A, %mul3A_1 : i32
    %scan3A = arith.constant 0 : i32
    %scan3A_3 = arith.constant 0 : i32
    %scan3A_4 = arith.constant 64 : i32
    %scan3A_5 = arith.addi %scan3A_3, %scan3A_4 : i32
    %scan3A_6 = arith.constant 1 : i32
    %scan3A_7 = scf.for %scan3A_96 = %scan3A_3 to %scan3A_5 step %scan3A_6 iter_args(%scan3A_97 = %scan3A) -> (i32)  : i32 {
      %broadcast_in_dim3A = arith.constant 0.000000e+00 : f32
      %broadcast_in_dim3A_98 = vector.broadcast %broadcast_in_dim3A : f32 to vector<16xf32>
      %swap3A = arith.index_cast %scan3A_96 : i32 to index
      %swap3A_99 = arith.constant 0 : index
      %swap3A_100 = tpu.vector_load %arg11[%swap3A, %swap3A_99] {strides = array<i32>} : memref<64x128xf32, #tpu.memory_space<vmem>>, vector<1x16xf32>,
      %swap3A_101 = vector.shape_cast %swap3A_100 : vector<1x16xf32> to vector<16xf32>
      %swap3A_102 = vector.shape_cast %broadcast_in_dim3A_98 : vector<16xf32> to vector<1x16xf32>
      tpu.vector_store %arg11[%swap3A, %swap3A_99], %swap3A_102 {strides = array<i32>} : memref<64x128xf32, #tpu.memory_space<vmem>>, vector<1x16xf32>,
      %broadcast_in_dim3A_103 = arith.constant 0.000000e+00 : f32
      %broadcast_in_dim3A_104 = vector.broadcast %broadcast_in_dim3A_103 : f32 to vector<16xf32>
      %swap3A_105 = arith.index_cast %scan3A_96 : i32 to index
      %swap3A_106 = arith.constant 16 : index
      %swap3A_107 = tpu.vector_load %arg11[%swap3A_105, %swap3A_106] {strides = array<i32>} : memref<64x128xf32, #tpu.memory_space<vmem>>, vector<1x16xf32>,
      %swap3A_108 = vector.shape_cast %swap3A_107 : vector<1x16xf32> to vector<16xf32>
      %swap3A_109 = vector.shape_cast %broadcast_in_dim3A_104 : vector<16xf32> to vector<1x16xf32>
      tpu.vector_store %arg11[%swap3A_105, %swap3A_106], %swap3A_109 {strides = array<i32>} : memref<64x128xf32, #tpu.memory_space<vmem>>, vector<1x16xf32>,
      %broadcast_in_dim3A_110 = arith.constant 0.000000e+00 : f32
      %broadcast_in_dim3A_111 = vector.broadcast %broadcast_in_dim3A_110 : f32 to vector<16xf32>
      %swap3A_112 = arith.index_cast %scan3A_96 : i32 to index
      %swap3A_113 = arith.constant 32 : index
      %swap3A_114 = tpu.vector_load %arg11[%swap3A_112, %swap3A_113] {strides = array<i32>} : memref<64x128xf32, #tpu.memory_space<vmem>>, vector<1x16xf32>,
      %swap3A_115 = vector.shape_cast %swap3A_114 : vector<1x16xf32> to vector<16xf32>
      %swap3A_116 = vector.shape_cast %broadcast_in_dim3A_111 : vector<16xf32> to vector<1x16xf32>
      tpu.vector_store %arg11[%swap3A_112, %swap3A_113], %swap3A_116 {strides = array<i32>} : memref<64x128xf32, #tpu.memory_space<vmem>>, vector<1x16xf32>,
      %broadcast_in_dim3A_117 = arith.constant 0.000000e+00 : f32
      %broadcast_in_dim3A_118 = vector.broadcast %broadcast_in_dim3A_117 : f32 to vector<16xf32>
      %swap3A_119 = arith.index_cast %scan3A_96 : i32 to index
      %swap3A_120 = arith.constant 48 : index
      %swap3A_121 = tpu.vector_load %arg11[%swap3A_119, %swap3A_120] {strides = array<i32>} : memref<64x128xf32, #tpu.memory_space<vmem>>, vector<1x16xf32>,
      %swap3A_122 = vector.shape_cast %swap3A_121 : vector<1x16xf32> to vector<16xf32>
      %swap3A_123 = vector.shape_cast %broadcast_in_dim3A_118 : vector<16xf32> to vector<1x16xf32>
      tpu.vector_store %arg11[%swap3A_119, %swap3A_120], %swap3A_123 {strides = array<i32>} : memref<64x128xf32, #tpu.memory_space<vmem>>, vector<1x16xf32>,
      %broadcast_in_dim3A_124 = arith.constant 0.000000e+00 : f32
      %broadcast_in_dim3A_125 = vector.broadcast %broadcast_in_dim3A_124 : f32 to vector<16xf32>
      %swap3A_126 = arith.index_cast %scan3A_96 : i32 to index
      %swap3A_127 = arith.constant 64 : index
      %swap3A_128 = tpu.vector_load %arg11[%swap3A_126, %swap3A_127] {strides = array<i32>} : memref<64x128xf32, #tpu.memory_space<vmem>>, vector<1x16xf32>,
      %swap3A_129 = vector.shape_cast %swap3A_128 : vector<1x16xf32> to vector<16xf32>
      %swap3A_130 = vector.shape_cast %broadcast_in_dim3A_125 : vector<16xf32> to vector<1x16xf32>
      tpu.vector_store %arg11[%swap3A_126, %swap3A_127], %swap3A_130 {strides = array<i32>} : memref<64x128xf32, #tpu.memory_space<vmem>>, vector<1x16xf32>,
      %broadcast_in_dim3A_131 = arith.constant 0.000000e+00 : f32
      %broadcast_in_dim3A_132 = vector.broadcast %broadcast_in_dim3A_131 : f32 to vector<16xf32>
      %swap3A_133 = arith.index_cast %scan3A_96 : i32 to index
      %swap3A_134 = arith.constant 80 : index
      %swap3A_135 = tpu.vector_load %arg11[%swap3A_133, %swap3A_134] {strides = array<i32>} : memref<64x128xf32, #tpu.memory_space<vmem>>, vector<1x16xf32>,
      %swap3A_136 = vector.shape_cast %swap3A_135 : vector<1x16xf32> to vector<16xf32>
      %swap3A_137 = vector.shape_cast %broadcast_in_dim3A_132 : vector<16xf32> to vector<1x16xf32>
      tpu.vector_store %arg11[%swap3A_133, %swap3A_134], %swap3A_137 {strides = array<i32>} : memref<64x128xf32, #tpu.memory_space<vmem>>, vector<1x16xf32>,
      %broadcast_in_dim3A_138 = arith.constant 0.000000e+00 : f32
      %broadcast_in_dim3A_139 = vector.broadcast %broadcast_in_dim3A_138 : f32 to vector<16xf32>
      %swap3A_140 = arith.index_cast %scan3A_96 : i32 to index
      %swap3A_141 = arith.constant 96 : index
      %swap3A_142 = tpu.vector_load %arg11[%swap3A_140, %swap3A_141] {strides = array<i32>} : memref<64x128xf32, #tpu.memory_space<vmem>>, vector<1x16xf32>,
      %swap3A_143 = vector.shape_cast %swap3A_142 : vector<1x16xf32> to vector<16xf32>
      %swap3A_144 = vector.shape_cast %broadcast_in_dim3A_139 : vector<16xf32> to vector<1x16xf32>
      tpu.vector_store %arg11[%swap3A_140, %swap3A_141], %swap3A_144 {strides = array<i32>} : memref<64x128xf32, #tpu.memory_space<vmem>>, vector<1x16xf32>,
      %broadcast_in_dim3A_145 = arith.constant 0.000000e+00 : f32
      %broadcast_in_dim3A_146 = vector.broadcast %broadcast_in_dim3A_145 : f32 to vector<16xf32>
      %swap3A_147 = arith.index_cast %scan3A_96 : i32 to index
      %swap3A_148 = arith.constant 112 : index
      %swap3A_149 = tpu.vector_load %arg11[%swap3A_147, %swap3A_148] {strides = array<i32>} : memref<64x128xf32, #tpu.memory_space<vmem>>, vector<1x16xf32>,
      %swap3A_150 = vector.shape_cast %swap3A_149 : vector<1x16xf32> to vector<16xf32>
      %swap3A_151 = vector.shape_cast %broadcast_in_dim3A_146 : vector<16xf32> to vector<1x16xf32>
      tpu.vector_store %arg11[%swap3A_147, %swap3A_148], %swap3A_151 {strides = array<i32>} : memref<64x128xf32, #tpu.memory_space<vmem>>, vector<1x16xf32>,
      %scan3A_152 = arith.constant 0 : i32
      scf.yield %scan3A_152 : i32
    }
    %scan3A_8 = arith.constant 64 : i32
    %mul3A_9 = arith.constant 640 : i32
    %mul3A_10 = arith.muli %arg1, %mul3A_9 : i32
    %add3A_11 = arith.constant 0 : i32
    %add3A_12 = arith.addi %mul3A_10, %add3A_11 : i32
    "tpu.region"() ({
      %run_scoped3A = tpu.sem_alloc : memref<!tpu.dma_semaphore, #tpu.memory_space<semaphore_mem>>
      %dma_start3A = arith.constant 0 : i32
      %dma_start3A_96 = tpu.memref_slice %arg15[%add3A_12, %dma_start3A] : memref<10240x128xf32, #tpu.memory_space<vmem_shared>> -> memref<64x128xf32, #tpu.memory_space<vmem_shared>>
      %dma_start3A_97 = arith.constant 0 : i32
      %dma_start3A_98 = tpu.memref_slice %arg15[%add3A_12, %dma_start3A_97] : memref<10240x128xf32, #tpu.memory_space<vmem_shared>> -> memref<64x128xf32, #tpu.memory_space<vmem_shared>>
      tpu.enqueue_dma source(%arg11 : memref<64x128xf32, #tpu.memory_space<vmem>>) target(%dma_start3A_98 : memref<64x128xf32, #tpu.memory_space<vmem_shared>>) target_semaphore(%run_scoped3A : memref<!tpu.dma_semaphore, #tpu.memory_space<semaphore_mem>>)
      %dma_wait3A = arith.constant 0 : i32
      %dma_wait3A_99 = tpu.memref_slice %arg15[%add3A_12, %dma_wait3A] : memref<10240x128xf32, #tpu.memory_space<vmem_shared>> -> memref<64x128xf32, #tpu.memory_space<vmem_shared>>
      %dma_wait3A_100 = arith.constant 0 : i32
      %dma_wait3A_101 = tpu.memref_slice %arg15[%add3A_12, %dma_wait3A_100] : memref<10240x128xf32, #tpu.memory_space<vmem_shared>> -> memref<64x128xf32, #tpu.memory_space<vmem_shared>>
      tpu.wait_dma2 semaphore(%run_scoped3A : memref<!tpu.dma_semaphore, #tpu.memory_space<semaphore_mem>>) src(%arg11 : memref<64x128xf32, #tpu.memory_space<vmem>>) dst(%dma_wait3A_101 : memref<64x128xf32, #tpu.memory_space<vmem_shared>>)
      tpu.yield
    }) : () -> ()
    %mul3A_13 = arith.constant 640 : i32
    %mul3A_14 = arith.muli %arg1, %mul3A_13 : i32
    %add3A_15 = arith.constant 64 : i32
    %add3A_16 = arith.addi %mul3A_14, %add3A_15 : i32
    "tpu.region"() ({
      %run_scoped3A = tpu.sem_alloc : memref<!tpu.dma_semaphore, #tpu.memory_space<semaphore_mem>>
      %dma_start3A = arith.constant 0 : i32
      %dma_start3A_96 = tpu.memref_slice %arg15[%add3A_16, %dma_start3A] : memref<10240x128xf32, #tpu.memory_space<vmem_shared>> -> memref<64x128xf32, #tpu.memory_space<vmem_shared>>
      %dma_start3A_97 = arith.constant 0 : i32
      %dma_start3A_98 = tpu.memref_slice %arg15[%add3A_16, %dma_start3A_97] : memref<10240x128xf32, #tpu.memory_space<vmem_shared>> -> memref<64x128xf32, #tpu.memory_space<vmem_shared>>
      tpu.enqueue_dma source(%arg11 : memref<64x128xf32, #tpu.memory_space<vmem>>) target(%dma_start3A_98 : memref<64x128xf32, #tpu.memory_space<vmem_shared>>) target_semaphore(%run_scoped3A : memref<!tpu.dma_semaphore, #tpu.memory_space<semaphore_mem>>)
      %dma_wait3A = arith.constant 0 : i32
      %dma_wait3A_99 = tpu.memref_slice %arg15[%add3A_16, %dma_wait3A] : memref<10240x128xf32, #tpu.memory_space<vmem_shared>> -> memref<64x128xf32, #tpu.memory_space<vmem_shared>>
      %dma_wait3A_100 = arith.constant 0 : i32
      %dma_wait3A_101 = tpu.memref_slice %arg15[%add3A_16, %dma_wait3A_100] : memref<10240x128xf32, #tpu.memory_space<vmem_shared>> -> memref<64x128xf32, #tpu.memory_space<vmem_shared>>
      tpu.wait_dma2 semaphore(%run_scoped3A : memref<!tpu.dma_semaphore, #tpu.memory_space<semaphore_mem>>) src(%arg11 : memref<64x128xf32, #tpu.memory_space<vmem>>) dst(%dma_wait3A_101 : memref<64x128xf32, #tpu.memory_space<vmem_shared>>)
      tpu.yield
    }) : () -> ()
    %mul3A_17 = arith.constant 640 : i32
    %mul3A_18 = arith.muli %arg1, %mul3A_17 : i32
    %add3A_19 = arith.constant 128 : i32
    %add3A_20 = arith.addi %mul3A_18, %add3A_19 : i32
    "tpu.region"() ({
      %run_scoped3A = tpu.sem_alloc : memref<!tpu.dma_semaphore, #tpu.memory_space<semaphore_mem>>
      %dma_start3A = arith.constant 0 : i32
      %dma_start3A_96 = tpu.memref_slice %arg15[%add3A_20, %dma_start3A] : memref<10240x128xf32, #tpu.memory_space<vmem_shared>> -> memref<64x128xf32, #tpu.memory_space<vmem_shared>>
      %dma_start3A_97 = arith.constant 0 : i32
      %dma_start3A_98 = tpu.memref_slice %arg15[%add3A_20, %dma_start3A_97] : memref<10240x128xf32, #tpu.memory_space<vmem_shared>> -> memref<64x128xf32, #tpu.memory_space<vmem_shared>>
      tpu.enqueue_dma source(%arg11 : memref<64x128xf32, #tpu.memory_space<vmem>>) target(%dma_start3A_98 : memref<64x128xf32, #tpu.memory_space<vmem_shared>>) target_semaphore(%run_scoped3A : memref<!tpu.dma_semaphore, #tpu.memory_space<semaphore_mem>>)
      %dma_wait3A = arith.constant 0 : i32
      %dma_wait3A_99 = tpu.memref_slice %arg15[%add3A_20, %dma_wait3A] : memref<10240x128xf32, #tpu.memory_space<vmem_shared>> -> memref<64x128xf32, #tpu.memory_space<vmem_shared>>
      %dma_wait3A_100 = arith.constant 0 : i32
      %dma_wait3A_101 = tpu.memref_slice %arg15[%add3A_20, %dma_wait3A_100] : memref<10240x128xf32, #tpu.memory_space<vmem_shared>> -> memref<64x128xf32, #tpu.memory_space<vmem_shared>>
      tpu.wait_dma2 semaphore(%run_scoped3A : memref<!tpu.dma_semaphore, #tpu.memory_space<semaphore_mem>>) src(%arg11 : memref<64x128xf32, #tpu.memory_space<vmem>>) dst(%dma_wait3A_101 : memref<64x128xf32, #tpu.memory_space<vmem_shared>>)
      tpu.yield
    }) : () -> ()
    %mul3A_21 = arith.constant 640 : i32
    %mul3A_22 = arith.muli %arg1, %mul3A_21 : i32
    %add3A_23 = arith.constant 192 : i32
    %add3A_24 = arith.addi %mul3A_22, %add3A_23 : i32
    "tpu.region"() ({
      %run_scoped3A = tpu.sem_alloc : memref<!tpu.dma_semaphore, #tpu.memory_space<semaphore_mem>>
      %dma_start3A = arith.constant 0 : i32
      %dma_start3A_96 = tpu.memref_slice %arg15[%add3A_24, %dma_start3A] : memref<10240x128xf32, #tpu.memory_space<vmem_shared>> -> memref<64x128xf32, #tpu.memory_space<vmem_shared>>
      %dma_start3A_97 = arith.constant 0 : i32
      %dma_start3A_98 = tpu.memref_slice %arg15[%add3A_24, %dma_start3A_97] : memref<10240x128xf32, #tpu.memory_space<vmem_shared>> -> memref<64x128xf32, #tpu.memory_space<vmem_shared>>
      tpu.enqueue_dma source(%arg11 : memref<64x128xf32, #tpu.memory_space<vmem>>) target(%dma_start3A_98 : memref<64x128xf32, #tpu.memory_space<vmem_shared>>) target_semaphore(%run_scoped3A : memref<!tpu.dma_semaphore, #tpu.memory_space<semaphore_mem>>)
      %dma_wait3A = arith.constant 0 : i32
      %dma_wait3A_99 = tpu.memref_slice %arg15[%add3A_24, %dma_wait3A] : memref<10240x128xf32, #tpu.memory_space<vmem_shared>> -> memref<64x128xf32, #tpu.memory_space<vmem_shared>>
      %dma_wait3A_100 = arith.constant 0 : i32
      %dma_wait3A_101 = tpu.memref_slice %arg15[%add3A_24, %dma_wait3A_100] : memref<10240x128xf32, #tpu.memory_space<vmem_shared>> -> memref<64x128xf32, #tpu.memory_space<vmem_shared>>
      tpu.wait_dma2 semaphore(%run_scoped3A : memref<!tpu.dma_semaphore, #tpu.memory_space<semaphore_mem>>) src(%arg11 : memref<64x128xf32, #tpu.memory_space<vmem>>) dst(%dma_wait3A_101 : memref<64x128xf32, #tpu.memory_space<vmem_shared>>)
      tpu.yield
    }) : () -> ()
    %mul3A_25 = arith.constant 640 : i32
    %mul3A_26 = arith.muli %arg1, %mul3A_25 : i32
    %add3A_27 = arith.constant 256 : i32
    %add3A_28 = arith.addi %mul3A_26, %add3A_27 : i32
    "tpu.region"() ({
      %run_scoped3A = tpu.sem_alloc : memref<!tpu.dma_semaphore, #tpu.memory_space<semaphore_mem>>
      %dma_start3A = arith.constant 0 : i32
      %dma_start3A_96 = tpu.memref_slice %arg15[%add3A_28, %dma_start3A] : memref<10240x128xf32, #tpu.memory_space<vmem_shared>> -> memref<64x128xf32, #tpu.memory_space<vmem_shared>>
      %dma_start3A_97 = arith.constant 0 : i32
      %dma_start3A_98 = tpu.memref_slice %arg15[%add3A_28, %dma_start3A_97] : memref<10240x128xf32, #tpu.memory_space<vmem_shared>> -> memref<64x128xf32, #tpu.memory_space<vmem_shared>>
      tpu.enqueue_dma source(%arg11 : memref<64x128xf32, #tpu.memory_space<vmem>>) target(%dma_start3A_98 : memref<64x128xf32, #tpu.memory_space<vmem_shared>>) target_semaphore(%run_scoped3A : memref<!tpu.dma_semaphore, #tpu.memory_space<semaphore_mem>>)
      %dma_wait3A = arith.constant 0 : i32
      %dma_wait3A_99 = tpu.memref_slice %arg15[%add3A_28, %dma_wait3A] : memref<10240x128xf32, #tpu.memory_space<vmem_shared>> -> memref<64x128xf32, #tpu.memory_space<vmem_shared>>
      %dma_wait3A_100 = arith.constant 0 : i32
      %dma_wait3A_101 = tpu.memref_slice %arg15[%add3A_28, %dma_wait3A_100] : memref<10240x128xf32, #tpu.memory_space<vmem_shared>> -> memref<64x128xf32, #tpu.memory_space<vmem_shared>>
      tpu.wait_dma2 semaphore(%run_scoped3A : memref<!tpu.dma_semaphore, #tpu.memory_space<semaphore_mem>>) src(%arg11 : memref<64x128xf32, #tpu.memory_space<vmem>>) dst(%dma_wait3A_101 : memref<64x128xf32, #tpu.memory_space<vmem_shared>>)
      tpu.yield
    }) : () -> ()
    %mul3A_29 = arith.constant 640 : i32
    %mul3A_30 = arith.muli %arg1, %mul3A_29 : i32
    %add3A_31 = arith.constant 320 : i32
    %add3A_32 = arith.addi %mul3A_30, %add3A_31 : i32
    "tpu.region"() ({
      %run_scoped3A = tpu.sem_alloc : memref<!tpu.dma_semaphore, #tpu.memory_space<semaphore_mem>>
      %dma_start3A = arith.constant 0 : i32
      %dma_start3A_96 = tpu.memref_slice %arg15[%add3A_32, %dma_start3A] : memref<10240x128xf32, #tpu.memory_space<vmem_shared>> -> memref<64x128xf32, #tpu.memory_space<vmem_shared>>
      %dma_start3A_97 = arith.constant 0 : i32
      %dma_start3A_98 = tpu.memref_slice %arg15[%add3A_32, %dma_start3A_97] : memref<10240x128xf32, #tpu.memory_space<vmem_shared>> -> memref<64x128xf32, #tpu.memory_space<vmem_shared>>
      tpu.enqueue_dma source(%arg11 : memref<64x128xf32, #tpu.memory_space<vmem>>) target(%dma_start3A_98 : memref<64x128xf32, #tpu.memory_space<vmem_shared>>) target_semaphore(%run_scoped3A : memref<!tpu.dma_semaphore, #tpu.memory_space<semaphore_mem>>)
      %dma_wait3A = arith.constant 0 : i32
      %dma_wait3A_99 = tpu.memref_slice %arg15[%add3A_32, %dma_wait3A] : memref<10240x128xf32, #tpu.memory_space<vmem_shared>> -> memref<64x128xf32, #tpu.memory_space<vmem_shared>>
      %dma_wait3A_100 = arith.constant 0 : i32
      %dma_wait3A_101 = tpu.memref_slice %arg15[%add3A_32, %dma_wait3A_100] : memref<10240x128xf32, #tpu.memory_space<vmem_shared>> -> memref<64x128xf32, #tpu.memory_space<vmem_shared>>
      tpu.wait_dma2 semaphore(%run_scoped3A : memref<!tpu.dma_semaphore, #tpu.memory_space<semaphore_mem>>) src(%arg11 : memref<64x128xf32, #tpu.memory_space<vmem>>) dst(%dma_wait3A_101 : memref<64x128xf32, #tpu.memory_space<vmem_shared>>)
      tpu.yield
    }) : () -> ()
    %mul3A_33 = arith.constant 640 : i32
    %mul3A_34 = arith.muli %arg1, %mul3A_33 : i32
    %add3A_35 = arith.constant 384 : i32
    %add3A_36 = arith.addi %mul3A_34, %add3A_35 : i32
    "tpu.region"() ({
      %run_scoped3A = tpu.sem_alloc : memref<!tpu.dma_semaphore, #tpu.memory_space<semaphore_mem>>
      %dma_start3A = arith.constant 0 : i32
      %dma_start3A_96 = tpu.memref_slice %arg15[%add3A_36, %dma_start3A] : memref<10240x128xf32, #tpu.memory_space<vmem_shared>> -> memref<64x128xf32, #tpu.memory_space<vmem_shared>>
      %dma_start3A_97 = arith.constant 0 : i32
      %dma_start3A_98 = tpu.memref_slice %arg15[%add3A_36, %dma_start3A_97] : memref<10240x128xf32, #tpu.memory_space<vmem_shared>> -> memref<64x128xf32, #tpu.memory_space<vmem_shared>>
      tpu.enqueue_dma source(%arg11 : memref<64x128xf32, #tpu.memory_space<vmem>>) target(%dma_start3A_98 : memref<64x128xf32, #tpu.memory_space<vmem_shared>>) target_semaphore(%run_scoped3A : memref<!tpu.dma_semaphore, #tpu.memory_space<semaphore_mem>>)
      %dma_wait3A = arith.constant 0 : i32
      %dma_wait3A_99 = tpu.memref_slice %arg15[%add3A_36, %dma_wait3A] : memref<10240x128xf32, #tpu.memory_space<vmem_shared>> -> memref<64x128xf32, #tpu.memory_space<vmem_shared>>
      %dma_wait3A_100 = arith.constant 0 : i32
      %dma_wait3A_101 = tpu.memref_slice %arg15[%add3A_36, %dma_wait3A_100] : memref<10240x128xf32, #tpu.memory_space<vmem_shared>> -> memref<64x128xf32, #tpu.memory_space<vmem_shared>>
      tpu.wait_dma2 semaphore(%run_scoped3A : memref<!tpu.dma_semaphore, #tpu.memory_space<semaphore_mem>>) src(%arg11 : memref<64x128xf32, #tpu.memory_space<vmem>>) dst(%dma_wait3A_101 : memref<64x128xf32, #tpu.memory_space<vmem_shared>>)
      tpu.yield
    }) : () -> ()
    %mul3A_37 = arith.constant 640 : i32
    %mul3A_38 = arith.muli %arg1, %mul3A_37 : i32
    %add3A_39 = arith.constant 448 : i32
    %add3A_40 = arith.addi %mul3A_38, %add3A_39 : i32
    "tpu.region"() ({
      %run_scoped3A = tpu.sem_alloc : memref<!tpu.dma_semaphore, #tpu.memory_space<semaphore_mem>>
      %dma_start3A = arith.constant 0 : i32
      %dma_start3A_96 = tpu.memref_slice %arg15[%add3A_40, %dma_start3A] : memref<10240x128xf32, #tpu.memory_space<vmem_shared>> -> memref<64x128xf32, #tpu.memory_space<vmem_shared>>
      %dma_start3A_97 = arith.constant 0 : i32
      %dma_start3A_98 = tpu.memref_slice %arg15[%add3A_40, %dma_start3A_97] : memref<10240x128xf32, #tpu.memory_space<vmem_shared>> -> memref<64x128xf32, #tpu.memory_space<vmem_shared>>
      tpu.enqueue_dma source(%arg11 : memref<64x128xf32, #tpu.memory_space<vmem>>) target(%dma_start3A_98 : memref<64x128xf32, #tpu.memory_space<vmem_shared>>) target_semaphore(%run_scoped3A : memref<!tpu.dma_semaphore, #tpu.memory_space<semaphore_mem>>)
      %dma_wait3A = arith.constant 0 : i32
      %dma_wait3A_99 = tpu.memref_slice %arg15[%add3A_40, %dma_wait3A] : memref<10240x128xf32, #tpu.memory_space<vmem_shared>> -> memref<64x128xf32, #tpu.memory_space<vmem_shared>>
      %dma_wait3A_100 = arith.constant 0 : i32
      %dma_wait3A_101 = tpu.memref_slice %arg15[%add3A_40, %dma_wait3A_100] : memref<10240x128xf32, #tpu.memory_space<vmem_shared>> -> memref<64x128xf32, #tpu.memory_space<vmem_shared>>
      tpu.wait_dma2 semaphore(%run_scoped3A : memref<!tpu.dma_semaphore, #tpu.memory_space<semaphore_mem>>) src(%arg11 : memref<64x128xf32, #tpu.memory_space<vmem>>) dst(%dma_wait3A_101 : memref<64x128xf32, #tpu.memory_space<vmem_shared>>)
      tpu.yield
    }) : () -> ()
    %mul3A_41 = arith.constant 640 : i32
    %mul3A_42 = arith.muli %arg1, %mul3A_41 : i32
    %add3A_43 = arith.constant 512 : i32
    %add3A_44 = arith.addi %mul3A_42, %add3A_43 : i32
    "tpu.region"() ({
      %run_scoped3A = tpu.sem_alloc : memref<!tpu.dma_semaphore, #tpu.memory_space<semaphore_mem>>
      %dma_start3A = arith.constant 0 : i32
      %dma_start3A_96 = tpu.memref_slice %arg15[%add3A_44, %dma_start3A] : memref<10240x128xf32, #tpu.memory_space<vmem_shared>> -> memref<64x128xf32, #tpu.memory_space<vmem_shared>>
      %dma_start3A_97 = arith.constant 0 : i32
      %dma_start3A_98 = tpu.memref_slice %arg15[%add3A_44, %dma_start3A_97] : memref<10240x128xf32, #tpu.memory_space<vmem_shared>> -> memref<64x128xf32, #tpu.memory_space<vmem_shared>>
      tpu.enqueue_dma source(%arg11 : memref<64x128xf32, #tpu.memory_space<vmem>>) target(%dma_start3A_98 : memref<64x128xf32, #tpu.memory_space<vmem_shared>>) target_semaphore(%run_scoped3A : memref<!tpu.dma_semaphore, #tpu.memory_space<semaphore_mem>>)
      %dma_wait3A = arith.constant 0 : i32
      %dma_wait3A_99 = tpu.memref_slice %arg15[%add3A_44, %dma_wait3A] : memref<10240x128xf32, #tpu.memory_space<vmem_shared>> -> memref<64x128xf32, #tpu.memory_space<vmem_shared>>
      %dma_wait3A_100 = arith.constant 0 : i32
      %dma_wait3A_101 = tpu.memref_slice %arg15[%add3A_44, %dma_wait3A_100] : memref<10240x128xf32, #tpu.memory_space<vmem_shared>> -> memref<64x128xf32, #tpu.memory_space<vmem_shared>>
      tpu.wait_dma2 semaphore(%run_scoped3A : memref<!tpu.dma_semaphore, #tpu.memory_space<semaphore_mem>>) src(%arg11 : memref<64x128xf32, #tpu.memory_space<vmem>>) dst(%dma_wait3A_101 : memref<64x128xf32, #tpu.memory_space<vmem_shared>>)
      tpu.yield
    }) : () -> ()
    %mul3A_45 = arith.constant 640 : i32
    %mul3A_46 = arith.muli %arg1, %mul3A_45 : i32
    %add3A_47 = arith.constant 576 : i32
    %add3A_48 = arith.addi %mul3A_46, %add3A_47 : i32
    "tpu.region"() ({
      %run_scoped3A = tpu.sem_alloc : memref<!tpu.dma_semaphore, #tpu.memory_space<semaphore_mem>>
      %dma_start3A = arith.constant 0 : i32
      %dma_start3A_96 = tpu.memref_slice %arg15[%add3A_48, %dma_start3A] : memref<10240x128xf32, #tpu.memory_space<vmem_shared>> -> memref<64x128xf32, #tpu.memory_space<vmem_shared>>
      %dma_start3A_97 = arith.constant 0 : i32
      %dma_start3A_98 = tpu.memref_slice %arg15[%add3A_48, %dma_start3A_97] : memref<10240x128xf32, #tpu.memory_space<vmem_shared>> -> memref<64x128xf32, #tpu.memory_space<vmem_shared>>
      tpu.enqueue_dma source(%arg11 : memref<64x128xf32, #tpu.memory_space<vmem>>) target(%dma_start3A_98 : memref<64x128xf32, #tpu.memory_space<vmem_shared>>) target_semaphore(%run_scoped3A : memref<!tpu.dma_semaphore, #tpu.memory_space<semaphore_mem>>)
      %dma_wait3A = arith.constant 0 : i32
      %dma_wait3A_99 = tpu.memref_slice %arg15[%add3A_48, %dma_wait3A] : memref<10240x128xf32, #tpu.memory_space<vmem_shared>> -> memref<64x128xf32, #tpu.memory_space<vmem_shared>>
      %dma_wait3A_100 = arith.constant 0 : i32
      %dma_wait3A_101 = tpu.memref_slice %arg15[%add3A_48, %dma_wait3A_100] : memref<10240x128xf32, #tpu.memory_space<vmem_shared>> -> memref<64x128xf32, #tpu.memory_space<vmem_shared>>
      tpu.wait_dma2 semaphore(%run_scoped3A : memref<!tpu.dma_semaphore, #tpu.memory_space<semaphore_mem>>) src(%arg11 : memref<64x128xf32, #tpu.memory_space<vmem>>) dst(%dma_wait3A_101 : memref<64x128xf32, #tpu.memory_space<vmem_shared>>)
      tpu.yield
    }) : () -> ()
    %barrier3A = arith.constant 0 : index
    tpu.barrier barrier_id(%barrier3A)
    %add3A_49 = arith.constant 0 : i32
    %add3A_50 = arith.addi %mul3A_2, %add3A_49 : i32
    %sub3A = arith.constant 2 : i32
    %sub3A_51 = arith.subi %add3A_50, %sub3A : i32
    %lt3A = arith.constant 5000 : i32
    %lt3A_52 = arith.cmpi slt, %sub3A_51, %lt3A : i32
    %and3A = arith.constant false
    %and3A_53 = arith.andi %and3A, %lt3A_52 : i1
    %and3A_54 = arith.constant true
    %and3A_55 = arith.andi %and3A_53, %and3A_54 : i1
    %convert_element_type3A = arith.extui %and3A_55 : i1 to i32
    %cond3A = arith.constant 0 : i32
    %cond3A_56 = arith.cmpi ne, %convert_element_type3A, %cond3A : i32
    scf.if %cond3A_56 {
      %dma_wait3A = arith.constant 0 : i32
      %dma_wait3A_96 = arith.constant 0 : i32
      %dma_wait3A_97 = tpu.memref_slice %arg15[%dma_wait3A, %dma_wait3A_96] : memref<10240x128xf32, #tpu.memory_space<vmem_shared>> -> memref<10240x128xf32, #tpu.memory_space<vmem_shared>>
      tpu.wait_indirect_dma semaphore(%arg24 : memref<!tpu.dma_semaphore, #tpu.memory_space<semaphore_mem>>) src(%arg11 : memref<64x128xf32, #tpu.memory_space<vmem>>) dst(%dma_wait3A_97 : memref<10240x128xf32, #tpu.memory_space<vmem_shared>>)
    } else {
    }
    %add3A_57 = arith.constant 0 : i32
    %add3A_58 = arith.addi %mul3A_2, %add3A_57 : i32
    %lt3A_59 = arith.constant 5000 : i32
    %lt3A_60 = arith.cmpi slt, %add3A_58, %lt3A_59 : i32
    %and3A_61 = arith.constant true
    %and3A_62 = arith.andi %and3A_61, %lt3A_60 : i1
    %convert_element_type3A_63 = arith.extui %and3A_62 : i1 to i32
    %cond3A_64 = arith.constant 0 : i32
    %cond3A_65 = arith.cmpi ne, %convert_element_type3A_63, %cond3A_64 : i32
    scf.if %cond3A_65 {
      %add3A_96 = arith.constant 0 : i32
      %add3A_97 = arith.addi %mul3A_2, %add3A_96 : i32
      %mul3A_98 = arith.constant 64 : i32
      %mul3A_99 = arith.muli %add3A_97, %mul3A_98 : i32
      %dma_start3A = arith.constant 0 : i32
      %dma_start3A_100 = tpu.memref_slice %arg3[%mul3A_99, %dma_start3A] : memref<320000x128xf32, #tpu.memory_space<hbm>> -> memref<64x128xf32, #tpu.memory_space<hbm>>
      %dma_start3A_101 = arith.constant 0 : i32
      %dma_start3A_102 = tpu.memref_slice %arg3[%mul3A_99, %dma_start3A_101] : memref<320000x128xf32, #tpu.memory_space<hbm>> -> memref<64x128xf32, #tpu.memory_space<hbm>>
      tpu.enqueue_dma source(%dma_start3A_102 : memref<64x128xf32, #tpu.memory_space<hbm>>) target(%arg13 : memref<64x128xf32, #tpu.memory_space<vmem>>) target_semaphore(%arg16 : memref<!tpu.dma_semaphore, #tpu.memory_space<semaphore_mem>>)
      %dma_start3A_103 = tpu.memref_slice %arg5[%mul3A_99] : memref<320000xi32, #tpu.memory_space<hbm>> -> memref<64xi32, #tpu.memory_space<hbm>>
      %dma_start3A_104 = tpu.memref_slice %arg5[%mul3A_99] : memref<320000xi32, #tpu.memory_space<hbm>> -> memref<64xi32, #tpu.memory_space<hbm>>
      tpu.enqueue_dma source(%dma_start3A_104 : memref<64xi32, #tpu.memory_space<hbm>>) target(%arg9 : memref<64xi32, #tpu.memory_space<vmem>>) target_semaphore(%arg20 : memref<!tpu.dma_semaphore, #tpu.memory_space<semaphore_mem>>)
      %dma_start3A_105 = tpu.memref_slice %arg4[%mul3A_99] : memref<320000xi32, #tpu.memory_space<hbm>> -> memref<64xi32, #tpu.memory_space<hbm>>
      %dma_start3A_106 = tpu.memref_slice %arg4[%mul3A_99] : memref<320000xi32, #tpu.memory_space<hbm>> -> memref<64xi32, #tpu.memory_space<hbm>>
      tpu.enqueue_dma source(%dma_start3A_106 : memref<64xi32, #tpu.memory_space<hbm>>) target(%arg7 : memref<64xi32, #tpu.memory_space<vmem>>) target_semaphore(%arg22 : memref<!tpu.dma_semaphore, #tpu.memory_space<semaphore_mem>>)
    } else {
    }
    %add3A_66 = arith.constant 0 : i32
    %add3A_67 = arith.addi %mul3A_2, %add3A_66 : i32
    %lt3A_68 = arith.constant 5000 : i32
    %lt3A_69 = arith.cmpi slt, %add3A_67, %lt3A_68 : i32
    %and3A_70 = arith.constant true
    %and3A_71 = arith.andi %and3A_70, %lt3A_69 : i1
    %convert_element_type3A_72 = arith.extui %and3A_71 : i1 to i32
    %cond3A_73 = arith.constant 0 : i32
    %cond3A_74 = arith.cmpi ne, %convert_element_type3A_72, %cond3A_73 : i32
    scf.if %cond3A_74 {
      %add3A_96 = arith.constant 0 : i32
      %add3A_97 = arith.addi %mul3A_2, %add3A_96 : i32
      %mul3A_98 = arith.constant 64 : i32
      %mul3A_99 = arith.muli %add3A_97, %mul3A_98 : i32
      %dma_wait3A = tpu.memref_slice %arg4[%mul3A_99] : memref<320000xi32, #tpu.memory_space<hbm>> -> memref<64xi32, #tpu.memory_space<hbm>>
      %dma_wait3A_100 = tpu.memref_slice %arg4[%mul3A_99] : memref<320000xi32, #tpu.memory_space<hbm>> -> memref<64xi32, #tpu.memory_space<hbm>>
      tpu.wait_dma2 semaphore(%arg22 : memref<!tpu.dma_semaphore, #tpu.memory_space<semaphore_mem>>) src(%dma_wait3A_100 : memref<64xi32, #tpu.memory_space<hbm>>) dst(%arg7 : memref<64xi32, #tpu.memory_space<vmem>>)
      %dma_start3A = arith.constant 0 : i32
      %dma_start3A_101 = arith.constant 0 : i32
      %dma_start3A_102 = tpu.memref_slice %arg2[%dma_start3A, %dma_start3A_101] : memref<10000x128xf32, #tpu.memory_space<hbm>> -> memref<10000x128xf32, #tpu.memory_space<hbm>>
      tpu.enqueue_indirect_dma source(%dma_start3A_102 : memref<10000x128xf32, #tpu.memory_space<hbm>>) target(%arg11 : memref<64x128xf32, #tpu.memory_space<vmem>>) offsets(%arg7 : memref<64xi32, #tpu.memory_space<vmem>>) semaphore(%arg18 : memref<!tpu.dma_semaphore, #tpu.memory_space<semaphore_mem>>)
    } else {
    }
    %scan3A_75 = arith.constant 0 : i32
    %scan3A_76 = arith.constant 0 : i32
    %scan3A_77 = arith.constant 80 : i32
    %scan3A_78 = arith.addi %scan3A_76, %scan3A_77 : i32
    %scan3A_79 = arith.constant 1 : i32
    %scan3A_80 = scf.for %scan3A_96 = %scan3A_76 to %scan3A_78 step %scan3A_79 iter_args(%scan3A_97 = %scan3A_75) -> (i32)  : i32 {
      %mul3A_98 = arith.constant 2 : i32
      %mul3A_99 = arith.muli %scan3A_96, %mul3A_98 : i32
      %add3A_100 = arith.constant 0 : i32
      %add3A_101 = arith.addi %mul3A_99, %add3A_100 : i32
      %add3A_102 = arith.constant 1 : i32
      %add3A_103 = arith.addi %add3A_101, %add3A_102 : i32
      %ge3A = arith.constant 2 : i32
      %ge3A_104 = arith.cmpi sge, %add3A_103, %ge3A : i32
      %add3A_105 = arith.addi %mul3A_2, %add3A_103 : i32
      %sub3A_106 = arith.constant 2 : i32
      %sub3A_107 = arith.subi %add3A_105, %sub3A_106 : i32
      %lt3A_108 = arith.constant 5000 : i32
      %lt3A_109 = arith.cmpi slt, %sub3A_107, %lt3A_108 : i32
      %and3A_110 = arith.andi %ge3A_104, %lt3A_109 : i1
      %sub3A_111 = arith.constant 2 : i32
      %sub3A_112 = arith.subi %add3A_103, %sub3A_111 : i32
      %lt3A_113 = arith.constant 160 : i32
      %lt3A_114 = arith.cmpi slt, %sub3A_112, %lt3A_113 : i32
      %and3A_115 = arith.andi %and3A_110, %lt3A_114 : i1
      %convert_element_type3A_116 = arith.extui %and3A_115 : i1 to i32
      %cond3A_117 = arith.constant 0 : i32
      %cond3A_118 = arith.cmpi ne, %convert_element_type3A_116, %cond3A_117 : i32
      scf.if %cond3A_118 {
        %dma_wait3A = arith.constant 0 : i32
        %dma_wait3A_194 = arith.constant 0 : i32
        %dma_wait3A_195 = tpu.memref_slice %arg15[%dma_wait3A, %dma_wait3A_194] : memref<10240x128xf32, #tpu.memory_space<vmem_shared>> -> memref<10240x128xf32, #tpu.memory_space<vmem_shared>>
        tpu.wait_indirect_dma semaphore(%arg25 : memref<!tpu.dma_semaphore, #tpu.memory_space<semaphore_mem>>) src(%arg12 : memref<64x128xf32, #tpu.memory_space<vmem>>) dst(%dma_wait3A_195 : memref<10240x128xf32, #tpu.memory_space<vmem_shared>>)
      } else {
      }
      %lt3A_119 = arith.constant 160 : i32
      %lt3A_120 = arith.cmpi slt, %add3A_103, %lt3A_119 : i32
      %add3A_121 = arith.addi %mul3A_2, %add3A_103 : i32
      %lt3A_122 = arith.constant 5000 : i32
      %lt3A_123 = arith.cmpi slt, %add3A_121, %lt3A_122 : i32
      %and3A_124 = arith.andi %lt3A_120, %lt3A_123 : i1
      %convert_element_type3A_125 = arith.extui %and3A_124 : i1 to i32
      %cond3A_126 = arith.constant 0 : i32
      %cond3A_127 = arith.cmpi ne, %convert_element_type3A_125, %cond3A_126 : i32
      scf.if %cond3A_127 {
        %add3A_194 = arith.addi %mul3A_2, %add3A_103 : i32
        %mul3A_195 = arith.constant 64 : i32
        %mul3A_196 = arith.muli %add3A_194, %mul3A_195 : i32
        %dma_start3A = arith.constant 0 : i32
        %dma_start3A_197 = tpu.memref_slice %arg3[%mul3A_196, %dma_start3A] : memref<320000x128xf32, #tpu.memory_space<hbm>> -> memref<64x128xf32, #tpu.memory_space<hbm>>
        %dma_start3A_198 = arith.constant 0 : i32
        %dma_start3A_199 = tpu.memref_slice %arg3[%mul3A_196, %dma_start3A_198] : memref<320000x128xf32, #tpu.memory_space<hbm>> -> memref<64x128xf32, #tpu.memory_space<hbm>>
        tpu.enqueue_dma source(%dma_start3A_199 : memref<64x128xf32, #tpu.memory_space<hbm>>) target(%arg14 : memref<64x128xf32, #tpu.memory_space<vmem>>) target_semaphore(%arg17 : memref<!tpu.dma_semaphore, #tpu.memory_space<semaphore_mem>>)
        %dma_start3A_200 = tpu.memref_slice %arg5[%mul3A_196] : memref<320000xi32, #tpu.memory_space<hbm>> -> memref<64xi32, #tpu.memory_space<hbm>>
        %dma_start3A_201 = tpu.memref_slice %arg5[%mul3A_196] : memref<320000xi32, #tpu.memory_space<hbm>> -> memref<64xi32, #tpu.memory_space<hbm>>
        tpu.enqueue_dma source(%dma_start3A_201 : memref<64xi32, #tpu.memory_space<hbm>>) target(%arg10 : memref<64xi32, #tpu.memory_space<vmem>>) target_semaphore(%arg21 : memref<!tpu.dma_semaphore, #tpu.memory_space<semaphore_mem>>)
        %dma_start3A_202 = tpu.memref_slice %arg4[%mul3A_196] : memref<320000xi32, #tpu.memory_space<hbm>> -> memref<64xi32, #tpu.memory_space<hbm>>
        %dma_start3A_203 = tpu.memref_slice %arg4[%mul3A_196] : memref<320000xi32, #tpu.memory_space<hbm>> -> memref<64xi32, #tpu.memory_space<hbm>>
        tpu.enqueue_dma source(%dma_start3A_203 : memref<64xi32, #tpu.memory_space<hbm>>) target(%arg8 : memref<64xi32, #tpu.memory_space<vmem>>) target_semaphore(%arg23 : memref<!tpu.dma_semaphore, #tpu.memory_space<semaphore_mem>>)
      } else {
      }
      %add3A_128 = arith.constant 1 : i32
      %add3A_129 = arith.addi %add3A_101, %add3A_128 : i32
      %lt3A_130 = arith.constant 160 : i32
      %lt3A_131 = arith.cmpi slt, %add3A_129, %lt3A_130 : i32
      %add3A_132 = arith.addi %mul3A_2, %add3A_129 : i32
      %lt3A_133 = arith.constant 5000 : i32
      %lt3A_134 = arith.cmpi slt, %add3A_132, %lt3A_133 : i32
      %and3A_135 = arith.andi %lt3A_131, %lt3A_134 : i1
      %convert_element_type3A_136 = arith.extui %and3A_135 : i1 to i32
      %cond3A_137 = arith.constant 0 : i32
      %cond3A_138 = arith.cmpi ne, %convert_element_type3A_136, %cond3A_137 : i32
      scf.if %cond3A_138 {
        %add3A_194 = arith.addi %mul3A_2, %add3A_129 : i32
        %mul3A_195 = arith.constant 64 : i32
        %mul3A_196 = arith.muli %add3A_194, %mul3A_195 : i32
        %dma_wait3A = tpu.memref_slice %arg4[%mul3A_196] : memref<320000xi32, #tpu.memory_space<hbm>> -> memref<64xi32, #tpu.memory_space<hbm>>
        %dma_wait3A_197 = tpu.memref_slice %arg4[%mul3A_196] : memref<320000xi32, #tpu.memory_space<hbm>> -> memref<64xi32, #tpu.memory_space<hbm>>
        tpu.wait_dma2 semaphore(%arg23 : memref<!tpu.dma_semaphore, #tpu.memory_space<semaphore_mem>>) src(%dma_wait3A_197 : memref<64xi32, #tpu.memory_space<hbm>>) dst(%arg8 : memref<64xi32, #tpu.memory_space<vmem>>)
        %dma_start3A = arith.constant 0 : i32
        %dma_start3A_198 = arith.constant 0 : i32
        %dma_start3A_199 = tpu.memref_slice %arg2[%dma_start3A, %dma_start3A_198] : memref<10000x128xf32, #tpu.memory_space<hbm>> -> memref<10000x128xf32, #tpu.memory_space<hbm>>
        tpu.enqueue_indirect_dma source(%dma_start3A_199 : memref<10000x128xf32, #tpu.memory_space<hbm>>) target(%arg12 : memref<64x128xf32, #tpu.memory_space<vmem>>) offsets(%arg8 : memref<64xi32, #tpu.memory_space<vmem>>) semaphore(%arg19 : memref<!tpu.dma_semaphore, #tpu.memory_space<semaphore_mem>>)
      } else {
      }
      %add3A_139 = arith.addi %mul3A_2, %add3A_101 : i32
      %lt3A_140 = arith.constant 5000 : i32
      %lt3A_141 = arith.cmpi slt, %add3A_139, %lt3A_140 : i32
      %convert_element_type3A_142 = arith.extui %lt3A_141 : i1 to i32
      %cond3A_143 = arith.constant 0 : i32
      %cond3A_144 = arith.cmpi ne, %convert_element_type3A_142, %cond3A_143 : i32
      scf.if %cond3A_144 {
        %add3A_194 = arith.addi %mul3A_2, %add3A_101 : i32
        %mul3A_195 = arith.constant 64 : i32
        %mul3A_196 = arith.muli %add3A_194, %mul3A_195 : i32
        %dma_wait3A = arith.constant 0 : i32
        %dma_wait3A_197 = tpu.memref_slice %arg3[%mul3A_196, %dma_wait3A] : memref<320000x128xf32, #tpu.memory_space<hbm>> -> memref<64x128xf32, #tpu.memory_space<hbm>>
        %dma_wait3A_198 = arith.constant 0 : i32
        %dma_wait3A_199 = tpu.memref_slice %arg3[%mul3A_196, %dma_wait3A_198] : memref<320000x128xf32, #tpu.memory_space<hbm>> -> memref<64x128xf32, #tpu.memory_space<hbm>>
        tpu.wait_dma2 semaphore(%arg16 : memref<!tpu.dma_semaphore, #tpu.memory_space<semaphore_mem>>) src(%dma_wait3A_199 : memref<64x128xf32, #tpu.memory_space<hbm>>) dst(%arg13 : memref<64x128xf32, #tpu.memory_space<vmem>>)
        %dma_wait3A_200 = tpu.memref_slice %arg5[%mul3A_196] : memref<320000xi32, #tpu.memory_space<hbm>> -> memref<64xi32, #tpu.memory_space<hbm>>
        %dma_wait3A_201 = tpu.memref_slice %arg5[%mul3A_196] : memref<320000xi32, #tpu.memory_space<hbm>> -> memref<64xi32, #tpu.memory_space<hbm>>
        tpu.wait_dma2 semaphore(%arg20 : memref<!tpu.dma_semaphore, #tpu.memory_space<semaphore_mem>>) src(%dma_wait3A_201 : memref<64xi32, #tpu.memory_space<hbm>>) dst(%arg9 : memref<64xi32, #tpu.memory_space<vmem>>)
        %dma_wait3A_202 = arith.constant 0 : i32
        %dma_wait3A_203 = arith.constant 0 : i32
        %dma_wait3A_204 = tpu.memref_slice %arg2[%dma_wait3A_202, %dma_wait3A_203] : memref<10000x128xf32, #tpu.memory_space<hbm>> -> memref<10000x128xf32, #tpu.memory_space<hbm>>
        tpu.wait_indirect_dma semaphore(%arg18 : memref<!tpu.dma_semaphore, #tpu.memory_space<semaphore_mem>>) src(%dma_wait3A_204 : memref<10000x128xf32, #tpu.memory_space<hbm>>) dst(%arg11 : memref<64x128xf32, #tpu.memory_space<vmem>>)
        %scan3A_205 = arith.constant 0 : i32
        %scan3A_206 = arith.constant 0 : i32
        %scan3A_207 = arith.constant 32 : i32
        %scan3A_208 = arith.addi %scan3A_206, %scan3A_207 : i32
        %scan3A_209 = arith.constant 1 : i32
        %scan3A_210 = scf.for %scan3A_214 = %scan3A_206 to %scan3A_208 step %scan3A_209 iter_args(%scan3A_215 = %scan3A_205) -> (i32)  : i32 {
          %mul3A_216 = arith.constant 2 : i32
          %mul3A_217 = arith.muli %scan3A_214, %mul3A_216 : i32
          %add3A_218 = arith.constant 0 : i32
          %add3A_219 = arith.addi %mul3A_217, %add3A_218 : i32
          %get3A = arith.index_cast %add3A_219 : i32 to index
          %get3A_220 = arith.constant 0 : index
          %get3A_221 = tpu.vector_load %arg11[%get3A, %get3A_220] {strides = array<i32>} : memref<64x128xf32, #tpu.memory_space<vmem>>, vector<1x16xf32>,
          %get3A_222 = vector.shape_cast %get3A_221 : vector<1x16xf32> to vector<16xf32>
          %get3A_223 = arith.index_cast %add3A_219 : i32 to index
          %get3A_224 = arith.constant 0 : index
          %get3A_225 = tpu.vector_load %arg13[%get3A_223, %get3A_224] {strides = array<i32>} : memref<64x128xf32, #tpu.memory_space<vmem>>, vector<1x16xf32>,
          %get3A_226 = vector.shape_cast %get3A_225 : vector<1x16xf32> to vector<16xf32>
          %add3A_227 = arith.addf %get3A_222, %get3A_226 : vector<16xf32>
          %max3A = arith.constant 0.000000e+00 : f32
          %max3A_228 = vector.broadcast %max3A : f32 to vector<16xf32>
          %max3A_229 = arith.maximumf %add3A_227, %max3A_228 : vector<16xf32>
          %swap3A = arith.index_cast %add3A_219 : i32 to index
          %swap3A_230 = arith.constant 0 : index
          %swap3A_231 = tpu.vector_load %arg11[%swap3A, %swap3A_230] {strides = array<i32>} : memref<64x128xf32, #tpu.memory_space<vmem>>, vector<1x16xf32>,
          %swap3A_232 = vector.shape_cast %swap3A_231 : vector<1x16xf32> to vector<16xf32>
          %swap3A_233 = vector.shape_cast %max3A_229 : vector<16xf32> to vector<1x16xf32>
          tpu.vector_store %arg11[%swap3A, %swap3A_230], %swap3A_233 {strides = array<i32>} : memref<64x128xf32, #tpu.memory_space<vmem>>, vector<1x16xf32>,
          %get3A_234 = arith.index_cast %add3A_219 : i32 to index
          %get3A_235 = arith.constant 16 : index
          %get3A_236 = tpu.vector_load %arg11[%get3A_234, %get3A_235] {strides = array<i32>} : memref<64x128xf32, #tpu.memory_space<vmem>>, vector<1x16xf32>,
          %get3A_237 = vector.shape_cast %get3A_236 : vector<1x16xf32> to vector<16xf32>
          %get3A_238 = arith.index_cast %add3A_219 : i32 to index
          %get3A_239 = arith.constant 16 : index
          %get3A_240 = tpu.vector_load %arg13[%get3A_238, %get3A_239] {strides = array<i32>} : memref<64x128xf32, #tpu.memory_space<vmem>>, vector<1x16xf32>,
          %get3A_241 = vector.shape_cast %get3A_240 : vector<1x16xf32> to vector<16xf32>
          %add3A_242 = arith.addf %get3A_237, %get3A_241 : vector<16xf32>
          %max3A_243 = arith.constant 0.000000e+00 : f32
          %max3A_244 = vector.broadcast %max3A_243 : f32 to vector<16xf32>
          %max3A_245 = arith.maximumf %add3A_242, %max3A_244 : vector<16xf32>
          %swap3A_246 = arith.index_cast %add3A_219 : i32 to index
          %swap3A_247 = arith.constant 16 : index
          %swap3A_248 = tpu.vector_load %arg11[%swap3A_246, %swap3A_247] {strides = array<i32>} : memref<64x128xf32, #tpu.memory_space<vmem>>, vector<1x16xf32>,
          %swap3A_249 = vector.shape_cast %swap3A_248 : vector<1x16xf32> to vector<16xf32>
          %swap3A_250 = vector.shape_cast %max3A_245 : vector<16xf32> to vector<1x16xf32>
          tpu.vector_store %arg11[%swap3A_246, %swap3A_247], %swap3A_250 {strides = array<i32>} : memref<64x128xf32, #tpu.memory_space<vmem>>, vector<1x16xf32>,
          %get3A_251 = arith.index_cast %add3A_219 : i32 to index
          %get3A_252 = arith.constant 32 : index
          %get3A_253 = tpu.vector_load %arg11[%get3A_251, %get3A_252] {strides = array<i32>} : memref<64x128xf32, #tpu.memory_space<vmem>>, vector<1x16xf32>,
          %get3A_254 = vector.shape_cast %get3A_253 : vector<1x16xf32> to vector<16xf32>
          %get3A_255 = arith.index_cast %add3A_219 : i32 to index
          %get3A_256 = arith.constant 32 : index
          %get3A_257 = tpu.vector_load %arg13[%get3A_255, %get3A_256] {strides = array<i32>} : memref<64x128xf32, #tpu.memory_space<vmem>>, vector<1x16xf32>,
          %get3A_258 = vector.shape_cast %get3A_257 : vector<1x16xf32> to vector<16xf32>
          %add3A_259 = arith.addf %get3A_254, %get3A_258 : vector<16xf32>
          %max3A_260 = arith.constant 0.000000e+00 : f32
          %max3A_261 = vector.broadcast %max3A_260 : f32 to vector<16xf32>
          %max3A_262 = arith.maximumf %add3A_259, %max3A_261 : vector<16xf32>
          %swap3A_263 = arith.index_cast %add3A_219 : i32 to index
          %swap3A_264 = arith.constant 32 : index
          %swap3A_265 = tpu.vector_load %arg11[%swap3A_263, %swap3A_264] {strides = array<i32>} : memref<64x128xf32, #tpu.memory_space<vmem>>, vector<1x16xf32>,
          %swap3A_266 = vector.shape_cast %swap3A_265 : vector<1x16xf32> to vector<16xf32>
          %swap3A_267 = vector.shape_cast %max3A_262 : vector<16xf32> to vector<1x16xf32>
          tpu.vector_store %arg11[%swap3A_263, %swap3A_264], %swap3A_267 {strides = array<i32>} : memref<64x128xf32, #tpu.memory_space<vmem>>, vector<1x16xf32>,
          %get3A_268 = arith.index_cast %add3A_219 : i32 to index
          %get3A_269 = arith.constant 48 : index
          %get3A_270 = tpu.vector_load %arg11[%get3A_268, %get3A_269] {strides = array<i32>} : memref<64x128xf32, #tpu.memory_space<vmem>>, vector<1x16xf32>,
          %get3A_271 = vector.shape_cast %get3A_270 : vector<1x16xf32> to vector<16xf32>
          %get3A_272 = arith.index_cast %add3A_219 : i32 to index
          %get3A_273 = arith.constant 48 : index
          %get3A_274 = tpu.vector_load %arg13[%get3A_272, %get3A_273] {strides = array<i32>} : memref<64x128xf32, #tpu.memory_space<vmem>>, vector<1x16xf32>,
          %get3A_275 = vector.shape_cast %get3A_274 : vector<1x16xf32> to vector<16xf32>
          %add3A_276 = arith.addf %get3A_271, %get3A_275 : vector<16xf32>
          %max3A_277 = arith.constant 0.000000e+00 : f32
          %max3A_278 = vector.broadcast %max3A_277 : f32 to vector<16xf32>
          %max3A_279 = arith.maximumf %add3A_276, %max3A_278 : vector<16xf32>
          %swap3A_280 = arith.index_cast %add3A_219 : i32 to index
          %swap3A_281 = arith.constant 48 : index
          %swap3A_282 = tpu.vector_load %arg11[%swap3A_280, %swap3A_281] {strides = array<i32>} : memref<64x128xf32, #tpu.memory_space<vmem>>, vector<1x16xf32>,
          %swap3A_283 = vector.shape_cast %swap3A_282 : vector<1x16xf32> to vector<16xf32>
          %swap3A_284 = vector.shape_cast %max3A_279 : vector<16xf32> to vector<1x16xf32>
          tpu.vector_store %arg11[%swap3A_280, %swap3A_281], %swap3A_284 {strides = array<i32>} : memref<64x128xf32, #tpu.memory_space<vmem>>, vector<1x16xf32>,
          %get3A_285 = arith.index_cast %add3A_219 : i32 to index
          %get3A_286 = arith.constant 64 : index
          %get3A_287 = tpu.vector_load %arg11[%get3A_285, %get3A_286] {strides = array<i32>} : memref<64x128xf32, #tpu.memory_space<vmem>>, vector<1x16xf32>,
          %get3A_288 = vector.shape_cast %get3A_287 : vector<1x16xf32> to vector<16xf32>
          %get3A_289 = arith.index_cast %add3A_219 : i32 to index
          %get3A_290 = arith.constant 64 : index
          %get3A_291 = tpu.vector_load %arg13[%get3A_289, %get3A_290] {strides = array<i32>} : memref<64x128xf32, #tpu.memory_space<vmem>>, vector<1x16xf32>,
          %get3A_292 = vector.shape_cast %get3A_291 : vector<1x16xf32> to vector<16xf32>
          %add3A_293 = arith.addf %get3A_288, %get3A_292 : vector<16xf32>
          %max3A_294 = arith.constant 0.000000e+00 : f32
          %max3A_295 = vector.broadcast %max3A_294 : f32 to vector<16xf32>
          %max3A_296 = arith.maximumf %add3A_293, %max3A_295 : vector<16xf32>
          %swap3A_297 = arith.index_cast %add3A_219 : i32 to index
          %swap3A_298 = arith.constant 64 : index
          %swap3A_299 = tpu.vector_load %arg11[%swap3A_297, %swap3A_298] {strides = array<i32>} : memref<64x128xf32, #tpu.memory_space<vmem>>, vector<1x16xf32>,
          %swap3A_300 = vector.shape_cast %swap3A_299 : vector<1x16xf32> to vector<16xf32>
          %swap3A_301 = vector.shape_cast %max3A_296 : vector<16xf32> to vector<1x16xf32>
          tpu.vector_store %arg11[%swap3A_297, %swap3A_298], %swap3A_301 {strides = array<i32>} : memref<64x128xf32, #tpu.memory_space<vmem>>, vector<1x16xf32>,
          %get3A_302 = arith.index_cast %add3A_219 : i32 to index
          %get3A_303 = arith.constant 80 : index
          %get3A_304 = tpu.vector_load %arg11[%get3A_302, %get3A_303] {strides = array<i32>} : memref<64x128xf32, #tpu.memory_space<vmem>>, vector<1x16xf32>,
          %get3A_305 = vector.shape_cast %get3A_304 : vector<1x16xf32> to vector<16xf32>
          %get3A_306 = arith.index_cast %add3A_219 : i32 to index
          %get3A_307 = arith.constant 80 : index
          %get3A_308 = tpu.vector_load %arg13[%get3A_306, %get3A_307] {strides = array<i32>} : memref<64x128xf32, #tpu.memory_space<vmem>>, vector<1x16xf32>,
          %get3A_309 = vector.shape_cast %get3A_308 : vector<1x16xf32> to vector<16xf32>
          %add3A_310 = arith.addf %get3A_305, %get3A_309 : vector<16xf32>
          %max3A_311 = arith.constant 0.000000e+00 : f32
          %max3A_312 = vector.broadcast %max3A_311 : f32 to vector<16xf32>
          %max3A_313 = arith.maximumf %add3A_310, %max3A_312 : vector<16xf32>
          %swap3A_314 = arith.index_cast %add3A_219 : i32 to index
          %swap3A_315 = arith.constant 80 : index
          %swap3A_316 = tpu.vector_load %arg11[%swap3A_314, %swap3A_315] {strides = array<i32>} : memref<64x128xf32, #tpu.memory_space<vmem>>, vector<1x16xf32>,
          %swap3A_317 = vector.shape_cast %swap3A_316 : vector<1x16xf32> to vector<16xf32>
          %swap3A_318 = vector.shape_cast %max3A_313 : vector<16xf32> to vector<1x16xf32>
          tpu.vector_store %arg11[%swap3A_314, %swap3A_315], %swap3A_318 {strides = array<i32>} : memref<64x128xf32, #tpu.memory_space<vmem>>, vector<1x16xf32>,
          %get3A_319 = arith.index_cast %add3A_219 : i32 to index
          %get3A_320 = arith.constant 96 : index
          %get3A_321 = tpu.vector_load %arg11[%get3A_319, %get3A_320] {strides = array<i32>} : memref<64x128xf32, #tpu.memory_space<vmem>>, vector<1x16xf32>,
          %get3A_322 = vector.shape_cast %get3A_321 : vector<1x16xf32> to vector<16xf32>
          %get3A_323 = arith.index_cast %add3A_219 : i32 to index
          %get3A_324 = arith.constant 96 : index
          %get3A_325 = tpu.vector_load %arg13[%get3A_323, %get3A_324] {strides = array<i32>} : memref<64x128xf32, #tpu.memory_space<vmem>>, vector<1x16xf32>,
          %get3A_326 = vector.shape_cast %get3A_325 : vector<1x16xf32> to vector<16xf32>
          %add3A_327 = arith.addf %get3A_322, %get3A_326 : vector<16xf32>
          %max3A_328 = arith.constant 0.000000e+00 : f32
          %max3A_329 = vector.broadcast %max3A_328 : f32 to vector<16xf32>
          %max3A_330 = arith.maximumf %add3A_327, %max3A_329 : vector<16xf32>
          %swap3A_331 = arith.index_cast %add3A_219 : i32 to index
          %swap3A_332 = arith.constant 96 : index
          %swap3A_333 = tpu.vector_load %arg11[%swap3A_331, %swap3A_332] {strides = array<i32>} : memref<64x128xf32, #tpu.memory_space<vmem>>, vector<1x16xf32>,
          %swap3A_334 = vector.shape_cast %swap3A_333 : vector<1x16xf32> to vector<16xf32>
          %swap3A_335 = vector.shape_cast %max3A_330 : vector<16xf32> to vector<1x16xf32>
          tpu.vector_store %arg11[%swap3A_331, %swap3A_332], %swap3A_335 {strides = array<i32>} : memref<64x128xf32, #tpu.memory_space<vmem>>, vector<1x16xf32>,
          %get3A_336 = arith.index_cast %add3A_219 : i32 to index
          %get3A_337 = arith.constant 112 : index
          %get3A_338 = tpu.vector_load %arg11[%get3A_336, %get3A_337] {strides = array<i32>} : memref<64x128xf32, #tpu.memory_space<vmem>>, vector<1x16xf32>,
          %get3A_339 = vector.shape_cast %get3A_338 : vector<1x16xf32> to vector<16xf32>
          %get3A_340 = arith.index_cast %add3A_219 : i32 to index
          %get3A_341 = arith.constant 112 : index
          %get3A_342 = tpu.vector_load %arg13[%get3A_340, %get3A_341] {strides = array<i32>} : memref<64x128xf32, #tpu.memory_space<vmem>>, vector<1x16xf32>,
          %get3A_343 = vector.shape_cast %get3A_342 : vector<1x16xf32> to vector<16xf32>
          %add3A_344 = arith.addf %get3A_339, %get3A_343 : vector<16xf32>
          %max3A_345 = arith.constant 0.000000e+00 : f32
          %max3A_346 = vector.broadcast %max3A_345 : f32 to vector<16xf32>
          %max3A_347 = arith.maximumf %add3A_344, %max3A_346 : vector<16xf32>
          %swap3A_348 = arith.index_cast %add3A_219 : i32 to index
          %swap3A_349 = arith.constant 112 : index
          %swap3A_350 = tpu.vector_load %arg11[%swap3A_348, %swap3A_349] {strides = array<i32>} : memref<64x128xf32, #tpu.memory_space<vmem>>, vector<1x16xf32>,
          %swap3A_351 = vector.shape_cast %swap3A_350 : vector<1x16xf32> to vector<16xf32>
          %swap3A_352 = vector.shape_cast %max3A_347 : vector<16xf32> to vector<1x16xf32>
          tpu.vector_store %arg11[%swap3A_348, %swap3A_349], %swap3A_352 {strides = array<i32>} : memref<64x128xf32, #tpu.memory_space<vmem>>, vector<1x16xf32>,
          %mul3A_353 = arith.constant 2 : i32
          %mul3A_354 = arith.muli %scan3A_214, %mul3A_353 : i32
          %add3A_355 = arith.constant 1 : i32
          %add3A_356 = arith.addi %mul3A_354, %add3A_355 : i32
          %get3A_357 = arith.index_cast %add3A_356 : i32 to index
          %get3A_358 = arith.constant 0 : index
          %get3A_359 = tpu.vector_load %arg11[%get3A_357, %get3A_358] {strides = array<i32>} : memref<64x128xf32, #tpu.memory_space<vmem>>, vector<1x16xf32>,
          %get3A_360 = vector.shape_cast %get3A_359 : vector<1x16xf32> to vector<16xf32>
          %get3A_361 = arith.index_cast %add3A_356 : i32 to index
          %get3A_362 = arith.constant 0 : index
          %get3A_363 = tpu.vector_load %arg13[%get3A_361, %get3A_362] {strides = array<i32>} : memref<64x128xf32, #tpu.memory_space<vmem>>, vector<1x16xf32>,
          %get3A_364 = vector.shape_cast %get3A_363 : vector<1x16xf32> to vector<16xf32>
          %add3A_365 = arith.addf %get3A_360, %get3A_364 : vector<16xf32>
          %max3A_366 = arith.constant 0.000000e+00 : f32
          %max3A_367 = vector.broadcast %max3A_366 : f32 to vector<16xf32>
          %max3A_368 = arith.maximumf %add3A_365, %max3A_367 : vector<16xf32>
          %swap3A_369 = arith.index_cast %add3A_356 : i32 to index
          %swap3A_370 = arith.constant 0 : index
          %swap3A_371 = tpu.vector_load %arg11[%swap3A_369, %swap3A_370] {strides = array<i32>} : memref<64x128xf32, #tpu.memory_space<vmem>>, vector<1x16xf32>,
          %swap3A_372 = vector.shape_cast %swap3A_371 : vector<1x16xf32> to vector<16xf32>
          %swap3A_373 = vector.shape_cast %max3A_368 : vector<16xf32> to vector<1x16xf32>
          tpu.vector_store %arg11[%swap3A_369, %swap3A_370], %swap3A_373 {strides = array<i32>} : memref<64x128xf32, #tpu.memory_space<vmem>>, vector<1x16xf32>,
          %get3A_374 = arith.index_cast %add3A_356 : i32 to index
          %get3A_375 = arith.constant 16 : index
          %get3A_376 = tpu.vector_load %arg11[%get3A_374, %get3A_375] {strides = array<i32>} : memref<64x128xf32, #tpu.memory_space<vmem>>, vector<1x16xf32>,
          %get3A_377 = vector.shape_cast %get3A_376 : vector<1x16xf32> to vector<16xf32>
          %get3A_378 = arith.index_cast %add3A_356 : i32 to index
          %get3A_379 = arith.constant 16 : index
          %get3A_380 = tpu.vector_load %arg13[%get3A_378, %get3A_379] {strides = array<i32>} : memref<64x128xf32, #tpu.memory_space<vmem>>, vector<1x16xf32>,
          %get3A_381 = vector.shape_cast %get3A_380 : vector<1x16xf32> to vector<16xf32>
          %add3A_382 = arith.addf %get3A_377, %get3A_381 : vector<16xf32>
          %max3A_383 = arith.constant 0.000000e+00 : f32
          %max3A_384 = vector.broadcast %max3A_383 : f32 to vector<16xf32>
          %max3A_385 = arith.maximumf %add3A_382, %max3A_384 : vector<16xf32>
          %swap3A_386 = arith.index_cast %add3A_356 : i32 to index
          %swap3A_387 = arith.constant 16 : index
          %swap3A_388 = tpu.vector_load %arg11[%swap3A_386, %swap3A_387] {strides = array<i32>} : memref<64x128xf32, #tpu.memory_space<vmem>>, vector<1x16xf32>,
          %swap3A_389 = vector.shape_cast %swap3A_388 : vector<1x16xf32> to vector<16xf32>
          %swap3A_390 = vector.shape_cast %max3A_385 : vector<16xf32> to vector<1x16xf32>
          tpu.vector_store %arg11[%swap3A_386, %swap3A_387], %swap3A_390 {strides = array<i32>} : memref<64x128xf32, #tpu.memory_space<vmem>>, vector<1x16xf32>,
          %get3A_391 = arith.index_cast %add3A_356 : i32 to index
          %get3A_392 = arith.constant 32 : index
          %get3A_393 = tpu.vector_load %arg11[%get3A_391, %get3A_392] {strides = array<i32>} : memref<64x128xf32, #tpu.memory_space<vmem>>, vector<1x16xf32>,
          %get3A_394 = vector.shape_cast %get3A_393 : vector<1x16xf32> to vector<16xf32>
          %get3A_395 = arith.index_cast %add3A_356 : i32 to index
          %get3A_396 = arith.constant 32 : index
          %get3A_397 = tpu.vector_load %arg13[%get3A_395, %get3A_396] {strides = array<i32>} : memref<64x128xf32, #tpu.memory_space<vmem>>, vector<1x16xf32>,
          %get3A_398 = vector.shape_cast %get3A_397 : vector<1x16xf32> to vector<16xf32>
          %add3A_399 = arith.addf %get3A_394, %get3A_398 : vector<16xf32>
          %max3A_400 = arith.constant 0.000000e+00 : f32
          %max3A_401 = vector.broadcast %max3A_400 : f32 to vector<16xf32>
          %max3A_402 = arith.maximumf %add3A_399, %max3A_401 : vector<16xf32>
          %swap3A_403 = arith.index_cast %add3A_356 : i32 to index
          %swap3A_404 = arith.constant 32 : index
          %swap3A_405 = tpu.vector_load %arg11[%swap3A_403, %swap3A_404] {strides = array<i32>} : memref<64x128xf32, #tpu.memory_space<vmem>>, vector<1x16xf32>,
          %swap3A_406 = vector.shape_cast %swap3A_405 : vector<1x16xf32> to vector<16xf32>
          %swap3A_407 = vector.shape_cast %max3A_402 : vector<16xf32> to vector<1x16xf32>
          tpu.vector_store %arg11[%swap3A_403, %swap3A_404], %swap3A_407 {strides = array<i32>} : memref<64x128xf32, #tpu.memory_space<vmem>>, vector<1x16xf32>,
          %get3A_408 = arith.index_cast %add3A_356 : i32 to index
          %get3A_409 = arith.constant 48 : index
          %get3A_410 = tpu.vector_load %arg11[%get3A_408, %get3A_409] {strides = array<i32>} : memref<64x128xf32, #tpu.memory_space<vmem>>, vector<1x16xf32>,
          %get3A_411 = vector.shape_cast %get3A_410 : vector<1x16xf32> to vector<16xf32>
          %get3A_412 = arith.index_cast %add3A_356 : i32 to index
          %get3A_413 = arith.constant 48 : index
          %get3A_414 = tpu.vector_load %arg13[%get3A_412, %get3A_413] {strides = array<i32>} : memref<64x128xf32, #tpu.memory_space<vmem>>, vector<1x16xf32>,
          %get3A_415 = vector.shape_cast %get3A_414 : vector<1x16xf32> to vector<16xf32>
          %add3A_416 = arith.addf %get3A_411, %get3A_415 : vector<16xf32>
          %max3A_417 = arith.constant 0.000000e+00 : f32
          %max3A_418 = vector.broadcast %max3A_417 : f32 to vector<16xf32>
          %max3A_419 = arith.maximumf %add3A_416, %max3A_418 : vector<16xf32>
          %swap3A_420 = arith.index_cast %add3A_356 : i32 to index
          %swap3A_421 = arith.constant 48 : index
          %swap3A_422 = tpu.vector_load %arg11[%swap3A_420, %swap3A_421] {strides = array<i32>} : memref<64x128xf32, #tpu.memory_space<vmem>>, vector<1x16xf32>,
          %swap3A_423 = vector.shape_cast %swap3A_422 : vector<1x16xf32> to vector<16xf32>
          %swap3A_424 = vector.shape_cast %max3A_419 : vector<16xf32> to vector<1x16xf32>
          tpu.vector_store %arg11[%swap3A_420, %swap3A_421], %swap3A_424 {strides = array<i32>} : memref<64x128xf32, #tpu.memory_space<vmem>>, vector<1x16xf32>,
          %get3A_425 = arith.index_cast %add3A_356 : i32 to index
          %get3A_426 = arith.constant 64 : index
          %get3A_427 = tpu.vector_load %arg11[%get3A_425, %get3A_426] {strides = array<i32>} : memref<64x128xf32, #tpu.memory_space<vmem>>, vector<1x16xf32>,
          %get3A_428 = vector.shape_cast %get3A_427 : vector<1x16xf32> to vector<16xf32>
          %get3A_429 = arith.index_cast %add3A_356 : i32 to index
          %get3A_430 = arith.constant 64 : index
          %get3A_431 = tpu.vector_load %arg13[%get3A_429, %get3A_430] {strides = array<i32>} : memref<64x128xf32, #tpu.memory_space<vmem>>, vector<1x16xf32>,
          %get3A_432 = vector.shape_cast %get3A_431 : vector<1x16xf32> to vector<16xf32>
          %add3A_433 = arith.addf %get3A_428, %get3A_432 : vector<16xf32>
          %max3A_434 = arith.constant 0.000000e+00 : f32
          %max3A_435 = vector.broadcast %max3A_434 : f32 to vector<16xf32>
          %max3A_436 = arith.maximumf %add3A_433, %max3A_435 : vector<16xf32>
          %swap3A_437 = arith.index_cast %add3A_356 : i32 to index
          %swap3A_438 = arith.constant 64 : index
          %swap3A_439 = tpu.vector_load %arg11[%swap3A_437, %swap3A_438] {strides = array<i32>} : memref<64x128xf32, #tpu.memory_space<vmem>>, vector<1x16xf32>,
          %swap3A_440 = vector.shape_cast %swap3A_439 : vector<1x16xf32> to vector<16xf32>
          %swap3A_441 = vector.shape_cast %max3A_436 : vector<16xf32> to vector<1x16xf32>
          tpu.vector_store %arg11[%swap3A_437, %swap3A_438], %swap3A_441 {strides = array<i32>} : memref<64x128xf32, #tpu.memory_space<vmem>>, vector<1x16xf32>,
          %get3A_442 = arith.index_cast %add3A_356 : i32 to index
          %get3A_443 = arith.constant 80 : index
          %get3A_444 = tpu.vector_load %arg11[%get3A_442, %get3A_443] {strides = array<i32>} : memref<64x128xf32, #tpu.memory_space<vmem>>, vector<1x16xf32>,
          %get3A_445 = vector.shape_cast %get3A_444 : vector<1x16xf32> to vector<16xf32>
          %get3A_446 = arith.index_cast %add3A_356 : i32 to index
          %get3A_447 = arith.constant 80 : index
          %get3A_448 = tpu.vector_load %arg13[%get3A_446, %get3A_447] {strides = array<i32>} : memref<64x128xf32, #tpu.memory_space<vmem>>, vector<1x16xf32>,
          %get3A_449 = vector.shape_cast %get3A_448 : vector<1x16xf32> to vector<16xf32>
          %add3A_450 = arith.addf %get3A_445, %get3A_449 : vector<16xf32>
          %max3A_451 = arith.constant 0.000000e+00 : f32
          %max3A_452 = vector.broadcast %max3A_451 : f32 to vector<16xf32>
          %max3A_453 = arith.maximumf %add3A_450, %max3A_452 : vector<16xf32>
          %swap3A_454 = arith.index_cast %add3A_356 : i32 to index
          %swap3A_455 = arith.constant 80 : index
          %swap3A_456 = tpu.vector_load %arg11[%swap3A_454, %swap3A_455] {strides = array<i32>} : memref<64x128xf32, #tpu.memory_space<vmem>>, vector<1x16xf32>,
          %swap3A_457 = vector.shape_cast %swap3A_456 : vector<1x16xf32> to vector<16xf32>
          %swap3A_458 = vector.shape_cast %max3A_453 : vector<16xf32> to vector<1x16xf32>
          tpu.vector_store %arg11[%swap3A_454, %swap3A_455], %swap3A_458 {strides = array<i32>} : memref<64x128xf32, #tpu.memory_space<vmem>>, vector<1x16xf32>,
          %get3A_459 = arith.index_cast %add3A_356 : i32 to index
          %get3A_460 = arith.constant 96 : index
          %get3A_461 = tpu.vector_load %arg11[%get3A_459, %get3A_460] {strides = array<i32>} : memref<64x128xf32, #tpu.memory_space<vmem>>, vector<1x16xf32>,
          %get3A_462 = vector.shape_cast %get3A_461 : vector<1x16xf32> to vector<16xf32>
          %get3A_463 = arith.index_cast %add3A_356 : i32 to index
          %get3A_464 = arith.constant 96 : index
          %get3A_465 = tpu.vector_load %arg13[%get3A_463, %get3A_464] {strides = array<i32>} : memref<64x128xf32, #tpu.memory_space<vmem>>, vector<1x16xf32>,
          %get3A_466 = vector.shape_cast %get3A_465 : vector<1x16xf32> to vector<16xf32>
          %add3A_467 = arith.addf %get3A_462, %get3A_466 : vector<16xf32>
          %max3A_468 = arith.constant 0.000000e+00 : f32
          %max3A_469 = vector.broadcast %max3A_468 : f32 to vector<16xf32>
          %max3A_470 = arith.maximumf %add3A_467, %max3A_469 : vector<16xf32>
          %swap3A_471 = arith.index_cast %add3A_356 : i32 to index
          %swap3A_472 = arith.constant 96 : index
          %swap3A_473 = tpu.vector_load %arg11[%swap3A_471, %swap3A_472] {strides = array<i32>} : memref<64x128xf32, #tpu.memory_space<vmem>>, vector<1x16xf32>,
          %swap3A_474 = vector.shape_cast %swap3A_473 : vector<1x16xf32> to vector<16xf32>
          %swap3A_475 = vector.shape_cast %max3A_470 : vector<16xf32> to vector<1x16xf32>
          tpu.vector_store %arg11[%swap3A_471, %swap3A_472], %swap3A_475 {strides = array<i32>} : memref<64x128xf32, #tpu.memory_space<vmem>>, vector<1x16xf32>,
          %get3A_476 = arith.index_cast %add3A_356 : i32 to index
          %get3A_477 = arith.constant 112 : index
          %get3A_478 = tpu.vector_load %arg11[%get3A_476, %get3A_477] {strides = array<i32>} : memref<64x128xf32, #tpu.memory_space<vmem>>, vector<1x16xf32>,
          %get3A_479 = vector.shape_cast %get3A_478 : vector<1x16xf32> to vector<16xf32>
          %get3A_480 = arith.index_cast %add3A_356 : i32 to index
          %get3A_481 = arith.constant 112 : index
          %get3A_482 = tpu.vector_load %arg13[%get3A_480, %get3A_481] {strides = array<i32>} : memref<64x128xf32, #tpu.memory_space<vmem>>, vector<1x16xf32>,
          %get3A_483 = vector.shape_cast %get3A_482 : vector<1x16xf32> to vector<16xf32>
          %add3A_484 = arith.addf %get3A_479, %get3A_483 : vector<16xf32>
          %max3A_485 = arith.constant 0.000000e+00 : f32
          %max3A_486 = vector.broadcast %max3A_485 : f32 to vector<16xf32>
          %max3A_487 = arith.maximumf %add3A_484, %max3A_486 : vector<16xf32>
          %swap3A_488 = arith.index_cast %add3A_356 : i32 to index
          %swap3A_489 = arith.constant 112 : index
          %swap3A_490 = tpu.vector_load %arg11[%swap3A_488, %swap3A_489] {strides = array<i32>} : memref<64x128xf32, #tpu.memory_space<vmem>>, vector<1x16xf32>,
          %swap3A_491 = vector.shape_cast %swap3A_490 : vector<1x16xf32> to vector<16xf32>
          %swap3A_492 = vector.shape_cast %max3A_487 : vector<16xf32> to vector<1x16xf32>
          tpu.vector_store %arg11[%swap3A_488, %swap3A_489], %swap3A_492 {strides = array<i32>} : memref<64x128xf32, #tpu.memory_space<vmem>>, vector<1x16xf32>,
          %scan3A_493 = arith.constant 0 : i32
          scf.yield %scan3A_493 : i32
        }
        %scan3A_211 = arith.constant 32 : i32
        %dma_start3A = arith.constant 0 : i32
        %dma_start3A_212 = arith.constant 0 : i32
        %dma_start3A_213 = tpu.memref_slice %arg15[%dma_start3A, %dma_start3A_212] : memref<10240x128xf32, #tpu.memory_space<vmem_shared>> -> memref<10240x128xf32, #tpu.memory_space<vmem_shared>>
        tpu.enqueue_indirect_dma source(%arg11 : memref<64x128xf32, #tpu.memory_space<vmem>>) target(%dma_start3A_213 : memref<10240x128xf32, #tpu.memory_space<vmem_shared>>) offsets(%arg9 : memref<64xi32, #tpu.memory_space<vmem>>) semaphore(%arg24 : memref<!tpu.dma_semaphore, #tpu.memory_space<semaphore_mem>>) {add = true}
      } else {
      }
      %mul3A_145 = arith.constant 2 : i32
      %mul3A_146 = arith.muli %scan3A_96, %mul3A_145 : i32
      %add3A_147 = arith.constant 1 : i32
      %add3A_148 = arith.addi %mul3A_146, %add3A_147 : i32
      %add3A_149 = arith.constant 1 : i32
      %add3A_150 = arith.addi %add3A_148, %add3A_149 : i32
      %ge3A_151 = arith.constant 2 : i32
      %ge3A_152 = arith.cmpi sge, %add3A_150, %ge3A_151 : i32
      %add3A_153 = arith.addi %mul3A_2, %add3A_150 : i32
      %sub3A_154 = arith.constant 2 : i32
      %sub3A_155 = arith.subi %add3A_153, %sub3A_154 : i32
      %lt3A_156 = arith.constant 5000 : i32
      %lt3A_157 = arith.cmpi slt, %sub3A_155, %lt3A_156 : i32
      %and3A_158 = arith.andi %ge3A_152, %lt3A_157 : i1
      %sub3A_159 = arith.constant 2 : i32
      %sub3A_160 = arith.subi %add3A_150, %sub3A_159 : i32
      %lt3A_161 = arith.constant 160 : i32
      %lt3A_162 = arith.cmpi slt, %sub3A_160, %lt3A_161 : i32
      %and3A_163 = arith.andi %and3A_158, %lt3A_162 : i1
      %convert_element_type3A_164 = arith.extui %and3A_163 : i1 to i32
      %cond3A_165 = arith.constant 0 : i32
      %cond3A_166 = arith.cmpi ne, %convert_element_type3A_164, %cond3A_165 : i32
      scf.if %cond3A_166 {
        %dma_wait3A = arith.constant 0 : i32
        %dma_wait3A_194 = arith.constant 0 : i32
        %dma_wait3A_195 = tpu.memref_slice %arg15[%dma_wait3A, %dma_wait3A_194] : memref<10240x128xf32, #tpu.memory_space<vmem_shared>> -> memref<10240x128xf32, #tpu.memory_space<vmem_shared>>
        tpu.wait_indirect_dma semaphore(%arg24 : memref<!tpu.dma_semaphore, #tpu.memory_space<semaphore_mem>>) src(%arg11 : memref<64x128xf32, #tpu.memory_space<vmem>>) dst(%dma_wait3A_195 : memref<10240x128xf32, #tpu.memory_space<vmem_shared>>)
      } else {
      }
      %lt3A_167 = arith.constant 160 : i32
      %lt3A_168 = arith.cmpi slt, %add3A_150, %lt3A_167 : i32
      %add3A_169 = arith.addi %mul3A_2, %add3A_150 : i32
      %lt3A_170 = arith.constant 5000 : i32
      %lt3A_171 = arith.cmpi slt, %add3A_169, %lt3A_170 : i32
      %and3A_172 = arith.andi %lt3A_168, %lt3A_171 : i1
      %convert_element_type3A_173 = arith.extui %and3A_172 : i1 to i32
      %cond3A_174 = arith.constant 0 : i32
      %cond3A_175 = arith.cmpi ne, %convert_element_type3A_173, %cond3A_174 : i32
      scf.if %cond3A_175 {
        %add3A_194 = arith.addi %mul3A_2, %add3A_150 : i32
        %mul3A_195 = arith.constant 64 : i32
        %mul3A_196 = arith.muli %add3A_194, %mul3A_195 : i32
        %dma_start3A = arith.constant 0 : i32
        %dma_start3A_197 = tpu.memref_slice %arg3[%mul3A_196, %dma_start3A] : memref<320000x128xf32, #tpu.memory_space<hbm>> -> memref<64x128xf32, #tpu.memory_space<hbm>>
        %dma_start3A_198 = arith.constant 0 : i32
        %dma_start3A_199 = tpu.memref_slice %arg3[%mul3A_196, %dma_start3A_198] : memref<320000x128xf32, #tpu.memory_space<hbm>> -> memref<64x128xf32, #tpu.memory_space<hbm>>
        tpu.enqueue_dma source(%dma_start3A_199 : memref<64x128xf32, #tpu.memory_space<hbm>>) target(%arg13 : memref<64x128xf32, #tpu.memory_space<vmem>>) target_semaphore(%arg16 : memref<!tpu.dma_semaphore, #tpu.memory_space<semaphore_mem>>)
        %dma_start3A_200 = tpu.memref_slice %arg5[%mul3A_196] : memref<320000xi32, #tpu.memory_space<hbm>> -> memref<64xi32, #tpu.memory_space<hbm>>
        %dma_start3A_201 = tpu.memref_slice %arg5[%mul3A_196] : memref<320000xi32, #tpu.memory_space<hbm>> -> memref<64xi32, #tpu.memory_space<hbm>>
        tpu.enqueue_dma source(%dma_start3A_201 : memref<64xi32, #tpu.memory_space<hbm>>) target(%arg9 : memref<64xi32, #tpu.memory_space<vmem>>) target_semaphore(%arg20 : memref<!tpu.dma_semaphore, #tpu.memory_space<semaphore_mem>>)
        %dma_start3A_202 = tpu.memref_slice %arg4[%mul3A_196] : memref<320000xi32, #tpu.memory_space<hbm>> -> memref<64xi32, #tpu.memory_space<hbm>>
        %dma_start3A_203 = tpu.memref_slice %arg4[%mul3A_196] : memref<320000xi32, #tpu.memory_space<hbm>> -> memref<64xi32, #tpu.memory_space<hbm>>
        tpu.enqueue_dma source(%dma_start3A_203 : memref<64xi32, #tpu.memory_space<hbm>>) target(%arg7 : memref<64xi32, #tpu.memory_space<vmem>>) target_semaphore(%arg22 : memref<!tpu.dma_semaphore, #tpu.memory_space<semaphore_mem>>)
      } else {
      }
      %add3A_176 = arith.constant 1 : i32
      %add3A_177 = arith.addi %add3A_148, %add3A_176 : i32
      %lt3A_178 = arith.constant 160 : i32
      %lt3A_179 = arith.cmpi slt, %add3A_177, %lt3A_178 : i32
      %add3A_180 = arith.addi %mul3A_2, %add3A_177 : i32
      %lt3A_181 = arith.constant 5000 : i32
      %lt3A_182 = arith.cmpi slt, %add3A_180, %lt3A_181 : i32
      %and3A_183 = arith.andi %lt3A_179, %lt3A_182 : i1
      %convert_element_type3A_184 = arith.extui %and3A_183 : i1 to i32
      %cond3A_185 = arith.constant 0 : i32
      %cond3A_186 = arith.cmpi ne, %convert_element_type3A_184, %cond3A_185 : i32
      scf.if %cond3A_186 {
        %add3A_194 = arith.addi %mul3A_2, %add3A_177 : i32
        %mul3A_195 = arith.constant 64 : i32
        %mul3A_196 = arith.muli %add3A_194, %mul3A_195 : i32
        %dma_wait3A = tpu.memref_slice %arg4[%mul3A_196] : memref<320000xi32, #tpu.memory_space<hbm>> -> memref<64xi32, #tpu.memory_space<hbm>>
        %dma_wait3A_197 = tpu.memref_slice %arg4[%mul3A_196] : memref<320000xi32, #tpu.memory_space<hbm>> -> memref<64xi32, #tpu.memory_space<hbm>>
        tpu.wait_dma2 semaphore(%arg22 : memref<!tpu.dma_semaphore, #tpu.memory_space<semaphore_mem>>) src(%dma_wait3A_197 : memref<64xi32, #tpu.memory_space<hbm>>) dst(%arg7 : memref<64xi32, #tpu.memory_space<vmem>>)
        %dma_start3A = arith.constant 0 : i32
        %dma_start3A_198 = arith.constant 0 : i32
        %dma_start3A_199 = tpu.memref_slice %arg2[%dma_start3A, %dma_start3A_198] : memref<10000x128xf32, #tpu.memory_space<hbm>> -> memref<10000x128xf32, #tpu.memory_space<hbm>>
        tpu.enqueue_indirect_dma source(%dma_start3A_199 : memref<10000x128xf32, #tpu.memory_space<hbm>>) target(%arg11 : memref<64x128xf32, #tpu.memory_space<vmem>>) offsets(%arg7 : memref<64xi32, #tpu.memory_space<vmem>>) semaphore(%arg18 : memref<!tpu.dma_semaphore, #tpu.memory_space<semaphore_mem>>)
      } else {
      }
      %add3A_187 = arith.addi %mul3A_2, %add3A_148 : i32
      %lt3A_188 = arith.constant 5000 : i32
      %lt3A_189 = arith.cmpi slt, %add3A_187, %lt3A_188 : i32
      %convert_element_type3A_190 = arith.extui %lt3A_189 : i1 to i32
      %cond3A_191 = arith.constant 0 : i32
      %cond3A_192 = arith.cmpi ne, %convert_element_type3A_190, %cond3A_191 : i32
      scf.if %cond3A_192 {
        %add3A_194 = arith.addi %mul3A_2, %add3A_148 : i32
        %mul3A_195 = arith.constant 64 : i32
        %mul3A_196 = arith.muli %add3A_194, %mul3A_195 : i32
        %dma_wait3A = arith.constant 0 : i32
        %dma_wait3A_197 = tpu.memref_slice %arg3[%mul3A_196, %dma_wait3A] : memref<320000x128xf32, #tpu.memory_space<hbm>> -> memref<64x128xf32, #tpu.memory_space<hbm>>
        %dma_wait3A_198 = arith.constant 0 : i32
        %dma_wait3A_199 = tpu.memref_slice %arg3[%mul3A_196, %dma_wait3A_198] : memref<320000x128xf32, #tpu.memory_space<hbm>> -> memref<64x128xf32, #tpu.memory_space<hbm>>
        tpu.wait_dma2 semaphore(%arg17 : memref<!tpu.dma_semaphore, #tpu.memory_space<semaphore_mem>>) src(%dma_wait3A_199 : memref<64x128xf32, #tpu.memory_space<hbm>>) dst(%arg14 : memref<64x128xf32, #tpu.memory_space<vmem>>)
        %dma_wait3A_200 = tpu.memref_slice %arg5[%mul3A_196] : memref<320000xi32, #tpu.memory_space<hbm>> -> memref<64xi32, #tpu.memory_space<hbm>>
        %dma_wait3A_201 = tpu.memref_slice %arg5[%mul3A_196] : memref<320000xi32, #tpu.memory_space<hbm>> -> memref<64xi32, #tpu.memory_space<hbm>>
        tpu.wait_dma2 semaphore(%arg21 : memref<!tpu.dma_semaphore, #tpu.memory_space<semaphore_mem>>) src(%dma_wait3A_201 : memref<64xi32, #tpu.memory_space<hbm>>) dst(%arg10 : memref<64xi32, #tpu.memory_space<vmem>>)
        %dma_wait3A_202 = arith.constant 0 : i32
        %dma_wait3A_203 = arith.constant 0 : i32
        %dma_wait3A_204 = tpu.memref_slice %arg2[%dma_wait3A_202, %dma_wait3A_203] : memref<10000x128xf32, #tpu.memory_space<hbm>> -> memref<10000x128xf32, #tpu.memory_space<hbm>>
        tpu.wait_indirect_dma semaphore(%arg19 : memref<!tpu.dma_semaphore, #tpu.memory_space<semaphore_mem>>) src(%dma_wait3A_204 : memref<10000x128xf32, #tpu.memory_space<hbm>>) dst(%arg12 : memref<64x128xf32, #tpu.memory_space<vmem>>)
        %scan3A_205 = arith.constant 0 : i32
        %scan3A_206 = arith.constant 0 : i32
        %scan3A_207 = arith.constant 32 : i32
        %scan3A_208 = arith.addi %scan3A_206, %scan3A_207 : i32
        %scan3A_209 = arith.constant 1 : i32
        %scan3A_210 = scf.for %scan3A_214 = %scan3A_206 to %scan3A_208 step %scan3A_209 iter_args(%scan3A_215 = %scan3A_205) -> (i32)  : i32 {
          %mul3A_216 = arith.constant 2 : i32
          %mul3A_217 = arith.muli %scan3A_214, %mul3A_216 : i32
          %add3A_218 = arith.constant 0 : i32
          %add3A_219 = arith.addi %mul3A_217, %add3A_218 : i32
          %get3A = arith.index_cast %add3A_219 : i32 to index
          %get3A_220 = arith.constant 0 : index
          %get3A_221 = tpu.vector_load %arg12[%get3A, %get3A_220] {strides = array<i32>} : memref<64x128xf32, #tpu.memory_space<vmem>>, vector<1x16xf32>,
          %get3A_222 = vector.shape_cast %get3A_221 : vector<1x16xf32> to vector<16xf32>
          %get3A_223 = arith.index_cast %add3A_219 : i32 to index
          %get3A_224 = arith.constant 0 : index
          %get3A_225 = tpu.vector_load %arg14[%get3A_223, %get3A_224] {strides = array<i32>} : memref<64x128xf32, #tpu.memory_space<vmem>>, vector<1x16xf32>,
          %get3A_226 = vector.shape_cast %get3A_225 : vector<1x16xf32> to vector<16xf32>
          %add3A_227 = arith.addf %get3A_222, %get3A_226 : vector<16xf32>
          %max3A = arith.constant 0.000000e+00 : f32
          %max3A_228 = vector.broadcast %max3A : f32 to vector<16xf32>
          %max3A_229 = arith.maximumf %add3A_227, %max3A_228 : vector<16xf32>
          %swap3A = arith.index_cast %add3A_219 : i32 to index
          %swap3A_230 = arith.constant 0 : index
          %swap3A_231 = tpu.vector_load %arg12[%swap3A, %swap3A_230] {strides = array<i32>} : memref<64x128xf32, #tpu.memory_space<vmem>>, vector<1x16xf32>,
          %swap3A_232 = vector.shape_cast %swap3A_231 : vector<1x16xf32> to vector<16xf32>
          %swap3A_233 = vector.shape_cast %max3A_229 : vector<16xf32> to vector<1x16xf32>
          tpu.vector_store %arg12[%swap3A, %swap3A_230], %swap3A_233 {strides = array<i32>} : memref<64x128xf32, #tpu.memory_space<vmem>>, vector<1x16xf32>,
          %get3A_234 = arith.index_cast %add3A_219 : i32 to index
          %get3A_235 = arith.constant 16 : index
          %get3A_236 = tpu.vector_load %arg12[%get3A_234, %get3A_235] {strides = array<i32>} : memref<64x128xf32, #tpu.memory_space<vmem>>, vector<1x16xf32>,
          %get3A_237 = vector.shape_cast %get3A_236 : vector<1x16xf32> to vector<16xf32>
          %get3A_238 = arith.index_cast %add3A_219 : i32 to index
          %get3A_239 = arith.constant 16 : index
          %get3A_240 = tpu.vector_load %arg14[%get3A_238, %get3A_239] {strides = array<i32>} : memref<64x128xf32, #tpu.memory_space<vmem>>, vector<1x16xf32>,
          %get3A_241 = vector.shape_cast %get3A_240 : vector<1x16xf32> to vector<16xf32>
          %add3A_242 = arith.addf %get3A_237, %get3A_241 : vector<16xf32>
          %max3A_243 = arith.constant 0.000000e+00 : f32
          %max3A_244 = vector.broadcast %max3A_243 : f32 to vector<16xf32>
          %max3A_245 = arith.maximumf %add3A_242, %max3A_244 : vector<16xf32>
          %swap3A_246 = arith.index_cast %add3A_219 : i32 to index
          %swap3A_247 = arith.constant 16 : index
          %swap3A_248 = tpu.vector_load %arg12[%swap3A_246, %swap3A_247] {strides = array<i32>} : memref<64x128xf32, #tpu.memory_space<vmem>>, vector<1x16xf32>,
          %swap3A_249 = vector.shape_cast %swap3A_248 : vector<1x16xf32> to vector<16xf32>
          %swap3A_250 = vector.shape_cast %max3A_245 : vector<16xf32> to vector<1x16xf32>
          tpu.vector_store %arg12[%swap3A_246, %swap3A_247], %swap3A_250 {strides = array<i32>} : memref<64x128xf32, #tpu.memory_space<vmem>>, vector<1x16xf32>,
          %get3A_251 = arith.index_cast %add3A_219 : i32 to index
          %get3A_252 = arith.constant 32 : index
          %get3A_253 = tpu.vector_load %arg12[%get3A_251, %get3A_252] {strides = array<i32>} : memref<64x128xf32, #tpu.memory_space<vmem>>, vector<1x16xf32>,
          %get3A_254 = vector.shape_cast %get3A_253 : vector<1x16xf32> to vector<16xf32>
          %get3A_255 = arith.index_cast %add3A_219 : i32 to index
          %get3A_256 = arith.constant 32 : index
          %get3A_257 = tpu.vector_load %arg14[%get3A_255, %get3A_256] {strides = array<i32>} : memref<64x128xf32, #tpu.memory_space<vmem>>, vector<1x16xf32>,
          %get3A_258 = vector.shape_cast %get3A_257 : vector<1x16xf32> to vector<16xf32>
          %add3A_259 = arith.addf %get3A_254, %get3A_258 : vector<16xf32>
          %max3A_260 = arith.constant 0.000000e+00 : f32
          %max3A_261 = vector.broadcast %max3A_260 : f32 to vector<16xf32>
          %max3A_262 = arith.maximumf %add3A_259, %max3A_261 : vector<16xf32>
          %swap3A_263 = arith.index_cast %add3A_219 : i32 to index
          %swap3A_264 = arith.constant 32 : index
          %swap3A_265 = tpu.vector_load %arg12[%swap3A_263, %swap3A_264] {strides = array<i32>} : memref<64x128xf32, #tpu.memory_space<vmem>>, vector<1x16xf32>,
          %swap3A_266 = vector.shape_cast %swap3A_265 : vector<1x16xf32> to vector<16xf32>
          %swap3A_267 = vector.shape_cast %max3A_262 : vector<16xf32> to vector<1x16xf32>
          tpu.vector_store %arg12[%swap3A_263, %swap3A_264], %swap3A_267 {strides = array<i32>} : memref<64x128xf32, #tpu.memory_space<vmem>>, vector<1x16xf32>,
          %get3A_268 = arith.index_cast %add3A_219 : i32 to index
          %get3A_269 = arith.constant 48 : index
          %get3A_270 = tpu.vector_load %arg12[%get3A_268, %get3A_269] {strides = array<i32>} : memref<64x128xf32, #tpu.memory_space<vmem>>, vector<1x16xf32>,
          %get3A_271 = vector.shape_cast %get3A_270 : vector<1x16xf32> to vector<16xf32>
          %get3A_272 = arith.index_cast %add3A_219 : i32 to index
          %get3A_273 = arith.constant 48 : index
          %get3A_274 = tpu.vector_load %arg14[%get3A_272, %get3A_273] {strides = array<i32>} : memref<64x128xf32, #tpu.memory_space<vmem>>, vector<1x16xf32>,
          %get3A_275 = vector.shape_cast %get3A_274 : vector<1x16xf32> to vector<16xf32>
          %add3A_276 = arith.addf %get3A_271, %get3A_275 : vector<16xf32>
          %max3A_277 = arith.constant 0.000000e+00 : f32
          %max3A_278 = vector.broadcast %max3A_277 : f32 to vector<16xf32>
          %max3A_279 = arith.maximumf %add3A_276, %max3A_278 : vector<16xf32>
          %swap3A_280 = arith.index_cast %add3A_219 : i32 to index
          %swap3A_281 = arith.constant 48 : index
          %swap3A_282 = tpu.vector_load %arg12[%swap3A_280, %swap3A_281] {strides = array<i32>} : memref<64x128xf32, #tpu.memory_space<vmem>>, vector<1x16xf32>,
          %swap3A_283 = vector.shape_cast %swap3A_282 : vector<1x16xf32> to vector<16xf32>
          %swap3A_284 = vector.shape_cast %max3A_279 : vector<16xf32> to vector<1x16xf32>
          tpu.vector_store %arg12[%swap3A_280, %swap3A_281], %swap3A_284 {strides = array<i32>} : memref<64x128xf32, #tpu.memory_space<vmem>>, vector<1x16xf32>,
          %get3A_285 = arith.index_cast %add3A_219 : i32 to index
          %get3A_286 = arith.constant 64 : index
          %get3A_287 = tpu.vector_load %arg12[%get3A_285, %get3A_286] {strides = array<i32>} : memref<64x128xf32, #tpu.memory_space<vmem>>, vector<1x16xf32>,
          %get3A_288 = vector.shape_cast %get3A_287 : vector<1x16xf32> to vector<16xf32>
          %get3A_289 = arith.index_cast %add3A_219 : i32 to index
          %get3A_290 = arith.constant 64 : index
          %get3A_291 = tpu.vector_load %arg14[%get3A_289, %get3A_290] {strides = array<i32>} : memref<64x128xf32, #tpu.memory_space<vmem>>, vector<1x16xf32>,
          %get3A_292 = vector.shape_cast %get3A_291 : vector<1x16xf32> to vector<16xf32>
          %add3A_293 = arith.addf %get3A_288, %get3A_292 : vector<16xf32>
          %max3A_294 = arith.constant 0.000000e+00 : f32
          %max3A_295 = vector.broadcast %max3A_294 : f32 to vector<16xf32>
          %max3A_296 = arith.maximumf %add3A_293, %max3A_295 : vector<16xf32>
          %swap3A_297 = arith.index_cast %add3A_219 : i32 to index
          %swap3A_298 = arith.constant 64 : index
          %swap3A_299 = tpu.vector_load %arg12[%swap3A_297, %swap3A_298] {strides = array<i32>} : memref<64x128xf32, #tpu.memory_space<vmem>>, vector<1x16xf32>,
          %swap3A_300 = vector.shape_cast %swap3A_299 : vector<1x16xf32> to vector<16xf32>
          %swap3A_301 = vector.shape_cast %max3A_296 : vector<16xf32> to vector<1x16xf32>
          tpu.vector_store %arg12[%swap3A_297, %swap3A_298], %swap3A_301 {strides = array<i32>} : memref<64x128xf32, #tpu.memory_space<vmem>>, vector<1x16xf32>,
          %get3A_302 = arith.index_cast %add3A_219 : i32 to index
          %get3A_303 = arith.constant 80 : index
          %get3A_304 = tpu.vector_load %arg12[%get3A_302, %get3A_303] {strides = array<i32>} : memref<64x128xf32, #tpu.memory_space<vmem>>, vector<1x16xf32>,
          %get3A_305 = vector.shape_cast %get3A_304 : vector<1x16xf32> to vector<16xf32>
          %get3A_306 = arith.index_cast %add3A_219 : i32 to index
          %get3A_307 = arith.constant 80 : index
          %get3A_308 = tpu.vector_load %arg14[%get3A_306, %get3A_307] {strides = array<i32>} : memref<64x128xf32, #tpu.memory_space<vmem>>, vector<1x16xf32>,
          %get3A_309 = vector.shape_cast %get3A_308 : vector<1x16xf32> to vector<16xf32>
          %add3A_310 = arith.addf %get3A_305, %get3A_309 : vector<16xf32>
          %max3A_311 = arith.constant 0.000000e+00 : f32
          %max3A_312 = vector.broadcast %max3A_311 : f32 to vector<16xf32>
          %max3A_313 = arith.maximumf %add3A_310, %max3A_312 : vector<16xf32>
          %swap3A_314 = arith.index_cast %add3A_219 : i32 to index
          %swap3A_315 = arith.constant 80 : index
          %swap3A_316 = tpu.vector_load %arg12[%swap3A_314, %swap3A_315] {strides = array<i32>} : memref<64x128xf32, #tpu.memory_space<vmem>>, vector<1x16xf32>,
          %swap3A_317 = vector.shape_cast %swap3A_316 : vector<1x16xf32> to vector<16xf32>
          %swap3A_318 = vector.shape_cast %max3A_313 : vector<16xf32> to vector<1x16xf32>
          tpu.vector_store %arg12[%swap3A_314, %swap3A_315], %swap3A_318 {strides = array<i32>} : memref<64x128xf32, #tpu.memory_space<vmem>>, vector<1x16xf32>,
          %get3A_319 = arith.index_cast %add3A_219 : i32 to index
          %get3A_320 = arith.constant 96 : index
          %get3A_321 = tpu.vector_load %arg12[%get3A_319, %get3A_320] {strides = array<i32>} : memref<64x128xf32, #tpu.memory_space<vmem>>, vector<1x16xf32>,
          %get3A_322 = vector.shape_cast %get3A_321 : vector<1x16xf32> to vector<16xf32>
          %get3A_323 = arith.index_cast %add3A_219 : i32 to index
          %get3A_324 = arith.constant 96 : index
          %get3A_325 = tpu.vector_load %arg14[%get3A_323, %get3A_324] {strides = array<i32>} : memref<64x128xf32, #tpu.memory_space<vmem>>, vector<1x16xf32>,
          %get3A_326 = vector.shape_cast %get3A_325 : vector<1x16xf32> to vector<16xf32>
          %add3A_327 = arith.addf %get3A_322, %get3A_326 : vector<16xf32>
          %max3A_328 = arith.constant 0.000000e+00 : f32
          %max3A_329 = vector.broadcast %max3A_328 : f32 to vector<16xf32>
          %max3A_330 = arith.maximumf %add3A_327, %max3A_329 : vector<16xf32>
          %swap3A_331 = arith.index_cast %add3A_219 : i32 to index
          %swap3A_332 = arith.constant 96 : index
          %swap3A_333 = tpu.vector_load %arg12[%swap3A_331, %swap3A_332] {strides = array<i32>} : memref<64x128xf32, #tpu.memory_space<vmem>>, vector<1x16xf32>,
          %swap3A_334 = vector.shape_cast %swap3A_333 : vector<1x16xf32> to vector<16xf32>
          %swap3A_335 = vector.shape_cast %max3A_330 : vector<16xf32> to vector<1x16xf32>
          tpu.vector_store %arg12[%swap3A_331, %swap3A_332], %swap3A_335 {strides = array<i32>} : memref<64x128xf32, #tpu.memory_space<vmem>>, vector<1x16xf32>,
          %get3A_336 = arith.index_cast %add3A_219 : i32 to index
          %get3A_337 = arith.constant 112 : index
          %get3A_338 = tpu.vector_load %arg12[%get3A_336, %get3A_337] {strides = array<i32>} : memref<64x128xf32, #tpu.memory_space<vmem>>, vector<1x16xf32>,
          %get3A_339 = vector.shape_cast %get3A_338 : vector<1x16xf32> to vector<16xf32>
          %get3A_340 = arith.index_cast %add3A_219 : i32 to index
          %get3A_341 = arith.constant 112 : index
          %get3A_342 = tpu.vector_load %arg14[%get3A_340, %get3A_341] {strides = array<i32>} : memref<64x128xf32, #tpu.memory_space<vmem>>, vector<1x16xf32>,
          %get3A_343 = vector.shape_cast %get3A_342 : vector<1x16xf32> to vector<16xf32>
          %add3A_344 = arith.addf %get3A_339, %get3A_343 : vector<16xf32>
          %max3A_345 = arith.constant 0.000000e+00 : f32
          %max3A_346 = vector.broadcast %max3A_345 : f32 to vector<16xf32>
          %max3A_347 = arith.maximumf %add3A_344, %max3A_346 : vector<16xf32>
          %swap3A_348 = arith.index_cast %add3A_219 : i32 to index
          %swap3A_349 = arith.constant 112 : index
          %swap3A_350 = tpu.vector_load %arg12[%swap3A_348, %swap3A_349] {strides = array<i32>} : memref<64x128xf32, #tpu.memory_space<vmem>>, vector<1x16xf32>,
          %swap3A_351 = vector.shape_cast %swap3A_350 : vector<1x16xf32> to vector<16xf32>
          %swap3A_352 = vector.shape_cast %max3A_347 : vector<16xf32> to vector<1x16xf32>
          tpu.vector_store %arg12[%swap3A_348, %swap3A_349], %swap3A_352 {strides = array<i32>} : memref<64x128xf32, #tpu.memory_space<vmem>>, vector<1x16xf32>,
          %mul3A_353 = arith.constant 2 : i32
          %mul3A_354 = arith.muli %scan3A_214, %mul3A_353 : i32
          %add3A_355 = arith.constant 1 : i32
          %add3A_356 = arith.addi %mul3A_354, %add3A_355 : i32
          %get3A_357 = arith.index_cast %add3A_356 : i32 to index
          %get3A_358 = arith.constant 0 : index
          %get3A_359 = tpu.vector_load %arg12[%get3A_357, %get3A_358] {strides = array<i32>} : memref<64x128xf32, #tpu.memory_space<vmem>>, vector<1x16xf32>,
          %get3A_360 = vector.shape_cast %get3A_359 : vector<1x16xf32> to vector<16xf32>
          %get3A_361 = arith.index_cast %add3A_356 : i32 to index
          %get3A_362 = arith.constant 0 : index
          %get3A_363 = tpu.vector_load %arg14[%get3A_361, %get3A_362] {strides = array<i32>} : memref<64x128xf32, #tpu.memory_space<vmem>>, vector<1x16xf32>,
          %get3A_364 = vector.shape_cast %get3A_363 : vector<1x16xf32> to vector<16xf32>
          %add3A_365 = arith.addf %get3A_360, %get3A_364 : vector<16xf32>
          %max3A_366 = arith.constant 0.000000e+00 : f32
          %max3A_367 = vector.broadcast %max3A_366 : f32 to vector<16xf32>
          %max3A_368 = arith.maximumf %add3A_365, %max3A_367 : vector<16xf32>
          %swap3A_369 = arith.index_cast %add3A_356 : i32 to index
          %swap3A_370 = arith.constant 0 : index
          %swap3A_371 = tpu.vector_load %arg12[%swap3A_369, %swap3A_370] {strides = array<i32>} : memref<64x128xf32, #tpu.memory_space<vmem>>, vector<1x16xf32>,
          %swap3A_372 = vector.shape_cast %swap3A_371 : vector<1x16xf32> to vector<16xf32>
          %swap3A_373 = vector.shape_cast %max3A_368 : vector<16xf32> to vector<1x16xf32>
          tpu.vector_store %arg12[%swap3A_369, %swap3A_370], %swap3A_373 {strides = array<i32>} : memref<64x128xf32, #tpu.memory_space<vmem>>, vector<1x16xf32>,
          %get3A_374 = arith.index_cast %add3A_356 : i32 to index
          %get3A_375 = arith.constant 16 : index
          %get3A_376 = tpu.vector_load %arg12[%get3A_374, %get3A_375] {strides = array<i32>} : memref<64x128xf32, #tpu.memory_space<vmem>>, vector<1x16xf32>,
          %get3A_377 = vector.shape_cast %get3A_376 : vector<1x16xf32> to vector<16xf32>
          %get3A_378 = arith.index_cast %add3A_356 : i32 to index
          %get3A_379 = arith.constant 16 : index
          %get3A_380 = tpu.vector_load %arg14[%get3A_378, %get3A_379] {strides = array<i32>} : memref<64x128xf32, #tpu.memory_space<vmem>>, vector<1x16xf32>,
          %get3A_381 = vector.shape_cast %get3A_380 : vector<1x16xf32> to vector<16xf32>
          %add3A_382 = arith.addf %get3A_377, %get3A_381 : vector<16xf32>
          %max3A_383 = arith.constant 0.000000e+00 : f32
          %max3A_384 = vector.broadcast %max3A_383 : f32 to vector<16xf32>
          %max3A_385 = arith.maximumf %add3A_382, %max3A_384 : vector<16xf32>
          %swap3A_386 = arith.index_cast %add3A_356 : i32 to index
          %swap3A_387 = arith.constant 16 : index
          %swap3A_388 = tpu.vector_load %arg12[%swap3A_386, %swap3A_387] {strides = array<i32>} : memref<64x128xf32, #tpu.memory_space<vmem>>, vector<1x16xf32>,
          %swap3A_389 = vector.shape_cast %swap3A_388 : vector<1x16xf32> to vector<16xf32>
          %swap3A_390 = vector.shape_cast %max3A_385 : vector<16xf32> to vector<1x16xf32>
          tpu.vector_store %arg12[%swap3A_386, %swap3A_387], %swap3A_390 {strides = array<i32>} : memref<64x128xf32, #tpu.memory_space<vmem>>, vector<1x16xf32>,
          %get3A_391 = arith.index_cast %add3A_356 : i32 to index
          %get3A_392 = arith.constant 32 : index
          %get3A_393 = tpu.vector_load %arg12[%get3A_391, %get3A_392] {strides = array<i32>} : memref<64x128xf32, #tpu.memory_space<vmem>>, vector<1x16xf32>,
          %get3A_394 = vector.shape_cast %get3A_393 : vector<1x16xf32> to vector<16xf32>
          %get3A_395 = arith.index_cast %add3A_356 : i32 to index
          %get3A_396 = arith.constant 32 : index
          %get3A_397 = tpu.vector_load %arg14[%get3A_395, %get3A_396] {strides = array<i32>} : memref<64x128xf32, #tpu.memory_space<vmem>>, vector<1x16xf32>,
          %get3A_398 = vector.shape_cast %get3A_397 : vector<1x16xf32> to vector<16xf32>
          %add3A_399 = arith.addf %get3A_394, %get3A_398 : vector<16xf32>
          %max3A_400 = arith.constant 0.000000e+00 : f32
          %max3A_401 = vector.broadcast %max3A_400 : f32 to vector<16xf32>
          %max3A_402 = arith.maximumf %add3A_399, %max3A_401 : vector<16xf32>
          %swap3A_403 = arith.index_cast %add3A_356 : i32 to index
          %swap3A_404 = arith.constant 32 : index
          %swap3A_405 = tpu.vector_load %arg12[%swap3A_403, %swap3A_404] {strides = array<i32>} : memref<64x128xf32, #tpu.memory_space<vmem>>, vector<1x16xf32>,
          %swap3A_406 = vector.shape_cast %swap3A_405 : vector<1x16xf32> to vector<16xf32>
          %swap3A_407 = vector.shape_cast %max3A_402 : vector<16xf32> to vector<1x16xf32>
          tpu.vector_store %arg12[%swap3A_403, %swap3A_404], %swap3A_407 {strides = array<i32>} : memref<64x128xf32, #tpu.memory_space<vmem>>, vector<1x16xf32>,
          %get3A_408 = arith.index_cast %add3A_356 : i32 to index
          %get3A_409 = arith.constant 48 : index
          %get3A_410 = tpu.vector_load %arg12[%get3A_408, %get3A_409] {strides = array<i32>} : memref<64x128xf32, #tpu.memory_space<vmem>>, vector<1x16xf32>,
          %get3A_411 = vector.shape_cast %get3A_410 : vector<1x16xf32> to vector<16xf32>
          %get3A_412 = arith.index_cast %add3A_356 : i32 to index
          %get3A_413 = arith.constant 48 : index
          %get3A_414 = tpu.vector_load %arg14[%get3A_412, %get3A_413] {strides = array<i32>} : memref<64x128xf32, #tpu.memory_space<vmem>>, vector<1x16xf32>,
          %get3A_415 = vector.shape_cast %get3A_414 : vector<1x16xf32> to vector<16xf32>
          %add3A_416 = arith.addf %get3A_411, %get3A_415 : vector<16xf32>
          %max3A_417 = arith.constant 0.000000e+00 : f32
          %max3A_418 = vector.broadcast %max3A_417 : f32 to vector<16xf32>
          %max3A_419 = arith.maximumf %add3A_416, %max3A_418 : vector<16xf32>
          %swap3A_420 = arith.index_cast %add3A_356 : i32 to index
          %swap3A_421 = arith.constant 48 : index
          %swap3A_422 = tpu.vector_load %arg12[%swap3A_420, %swap3A_421] {strides = array<i32>} : memref<64x128xf32, #tpu.memory_space<vmem>>, vector<1x16xf32>,
          %swap3A_423 = vector.shape_cast %swap3A_422 : vector<1x16xf32> to vector<16xf32>
          %swap3A_424 = vector.shape_cast %max3A_419 : vector<16xf32> to vector<1x16xf32>
          tpu.vector_store %arg12[%swap3A_420, %swap3A_421], %swap3A_424 {strides = array<i32>} : memref<64x128xf32, #tpu.memory_space<vmem>>, vector<1x16xf32>,
          %get3A_425 = arith.index_cast %add3A_356 : i32 to index
          %get3A_426 = arith.constant 64 : index
          %get3A_427 = tpu.vector_load %arg12[%get3A_425, %get3A_426] {strides = array<i32>} : memref<64x128xf32, #tpu.memory_space<vmem>>, vector<1x16xf32>,
          %get3A_428 = vector.shape_cast %get3A_427 : vector<1x16xf32> to vector<16xf32>
          %get3A_429 = arith.index_cast %add3A_356 : i32 to index
          %get3A_430 = arith.constant 64 : index
          %get3A_431 = tpu.vector_load %arg14[%get3A_429, %get3A_430] {strides = array<i32>} : memref<64x128xf32, #tpu.memory_space<vmem>>, vector<1x16xf32>,
          %get3A_432 = vector.shape_cast %get3A_431 : vector<1x16xf32> to vector<16xf32>
          %add3A_433 = arith.addf %get3A_428, %get3A_432 : vector<16xf32>
          %max3A_434 = arith.constant 0.000000e+00 : f32
          %max3A_435 = vector.broadcast %max3A_434 : f32 to vector<16xf32>
          %max3A_436 = arith.maximumf %add3A_433, %max3A_435 : vector<16xf32>
          %swap3A_437 = arith.index_cast %add3A_356 : i32 to index
          %swap3A_438 = arith.constant 64 : index
          %swap3A_439 = tpu.vector_load %arg12[%swap3A_437, %swap3A_438] {strides = array<i32>} : memref<64x128xf32, #tpu.memory_space<vmem>>, vector<1x16xf32>,
          %swap3A_440 = vector.shape_cast %swap3A_439 : vector<1x16xf32> to vector<16xf32>
          %swap3A_441 = vector.shape_cast %max3A_436 : vector<16xf32> to vector<1x16xf32>
          tpu.vector_store %arg12[%swap3A_437, %swap3A_438], %swap3A_441 {strides = array<i32>} : memref<64x128xf32, #tpu.memory_space<vmem>>, vector<1x16xf32>,
          %get3A_442 = arith.index_cast %add3A_356 : i32 to index
          %get3A_443 = arith.constant 80 : index
          %get3A_444 = tpu.vector_load %arg12[%get3A_442, %get3A_443] {strides = array<i32>} : memref<64x128xf32, #tpu.memory_space<vmem>>, vector<1x16xf32>,
          %get3A_445 = vector.shape_cast %get3A_444 : vector<1x16xf32> to vector<16xf32>
          %get3A_446 = arith.index_cast %add3A_356 : i32 to index
          %get3A_447 = arith.constant 80 : index
          %get3A_448 = tpu.vector_load %arg14[%get3A_446, %get3A_447] {strides = array<i32>} : memref<64x128xf32, #tpu.memory_space<vmem>>, vector<1x16xf32>,
          %get3A_449 = vector.shape_cast %get3A_448 : vector<1x16xf32> to vector<16xf32>
          %add3A_450 = arith.addf %get3A_445, %get3A_449 : vector<16xf32>
          %max3A_451 = arith.constant 0.000000e+00 : f32
          %max3A_452 = vector.broadcast %max3A_451 : f32 to vector<16xf32>
          %max3A_453 = arith.maximumf %add3A_450, %max3A_452 : vector<16xf32>
          %swap3A_454 = arith.index_cast %add3A_356 : i32 to index
          %swap3A_455 = arith.constant 80 : index
          %swap3A_456 = tpu.vector_load %arg12[%swap3A_454, %swap3A_455] {strides = array<i32>} : memref<64x128xf32, #tpu.memory_space<vmem>>, vector<1x16xf32>,
          %swap3A_457 = vector.shape_cast %swap3A_456 : vector<1x16xf32> to vector<16xf32>
          %swap3A_458 = vector.shape_cast %max3A_453 : vector<16xf32> to vector<1x16xf32>
          tpu.vector_store %arg12[%swap3A_454, %swap3A_455], %swap3A_458 {strides = array<i32>} : memref<64x128xf32, #tpu.memory_space<vmem>>, vector<1x16xf32>,
          %get3A_459 = arith.index_cast %add3A_356 : i32 to index
          %get3A_460 = arith.constant 96 : index
          %get3A_461 = tpu.vector_load %arg12[%get3A_459, %get3A_460] {strides = array<i32>} : memref<64x128xf32, #tpu.memory_space<vmem>>, vector<1x16xf32>,
          %get3A_462 = vector.shape_cast %get3A_461 : vector<1x16xf32> to vector<16xf32>
          %get3A_463 = arith.index_cast %add3A_356 : i32 to index
          %get3A_464 = arith.constant 96 : index
          %get3A_465 = tpu.vector_load %arg14[%get3A_463, %get3A_464] {strides = array<i32>} : memref<64x128xf32, #tpu.memory_space<vmem>>, vector<1x16xf32>,
          %get3A_466 = vector.shape_cast %get3A_465 : vector<1x16xf32> to vector<16xf32>
          %add3A_467 = arith.addf %get3A_462, %get3A_466 : vector<16xf32>
          %max3A_468 = arith.constant 0.000000e+00 : f32
          %max3A_469 = vector.broadcast %max3A_468 : f32 to vector<16xf32>
          %max3A_470 = arith.maximumf %add3A_467, %max3A_469 : vector<16xf32>
          %swap3A_471 = arith.index_cast %add3A_356 : i32 to index
          %swap3A_472 = arith.constant 96 : index
          %swap3A_473 = tpu.vector_load %arg12[%swap3A_471, %swap3A_472] {strides = array<i32>} : memref<64x128xf32, #tpu.memory_space<vmem>>, vector<1x16xf32>,
          %swap3A_474 = vector.shape_cast %swap3A_473 : vector<1x16xf32> to vector<16xf32>
          %swap3A_475 = vector.shape_cast %max3A_470 : vector<16xf32> to vector<1x16xf32>
          tpu.vector_store %arg12[%swap3A_471, %swap3A_472], %swap3A_475 {strides = array<i32>} : memref<64x128xf32, #tpu.memory_space<vmem>>, vector<1x16xf32>,
          %get3A_476 = arith.index_cast %add3A_356 : i32 to index
          %get3A_477 = arith.constant 112 : index
          %get3A_478 = tpu.vector_load %arg12[%get3A_476, %get3A_477] {strides = array<i32>} : memref<64x128xf32, #tpu.memory_space<vmem>>, vector<1x16xf32>,
          %get3A_479 = vector.shape_cast %get3A_478 : vector<1x16xf32> to vector<16xf32>
          %get3A_480 = arith.index_cast %add3A_356 : i32 to index
          %get3A_481 = arith.constant 112 : index
          %get3A_482 = tpu.vector_load %arg14[%get3A_480, %get3A_481] {strides = array<i32>} : memref<64x128xf32, #tpu.memory_space<vmem>>, vector<1x16xf32>,
          %get3A_483 = vector.shape_cast %get3A_482 : vector<1x16xf32> to vector<16xf32>
          %add3A_484 = arith.addf %get3A_479, %get3A_483 : vector<16xf32>
          %max3A_485 = arith.constant 0.000000e+00 : f32
          %max3A_486 = vector.broadcast %max3A_485 : f32 to vector<16xf32>
          %max3A_487 = arith.maximumf %add3A_484, %max3A_486 : vector<16xf32>
          %swap3A_488 = arith.index_cast %add3A_356 : i32 to index
          %swap3A_489 = arith.constant 112 : index
          %swap3A_490 = tpu.vector_load %arg12[%swap3A_488, %swap3A_489] {strides = array<i32>} : memref<64x128xf32, #tpu.memory_space<vmem>>, vector<1x16xf32>,
          %swap3A_491 = vector.shape_cast %swap3A_490 : vector<1x16xf32> to vector<16xf32>
          %swap3A_492 = vector.shape_cast %max3A_487 : vector<16xf32> to vector<1x16xf32>
          tpu.vector_store %arg12[%swap3A_488, %swap3A_489], %swap3A_492 {strides = array<i32>} : memref<64x128xf32, #tpu.memory_space<vmem>>, vector<1x16xf32>,
          %scan3A_493 = arith.constant 0 : i32
          scf.yield %scan3A_493 : i32
        }
        %scan3A_211 = arith.constant 32 : i32
        %dma_start3A = arith.constant 0 : i32
        %dma_start3A_212 = arith.constant 0 : i32
        %dma_start3A_213 = tpu.memref_slice %arg15[%dma_start3A, %dma_start3A_212] : memref<10240x128xf32, #tpu.memory_space<vmem_shared>> -> memref<10240x128xf32, #tpu.memory_space<vmem_shared>>
        tpu.enqueue_indirect_dma source(%arg12 : memref<64x128xf32, #tpu.memory_space<vmem>>) target(%dma_start3A_213 : memref<10240x128xf32, #tpu.memory_space<vmem_shared>>) offsets(%arg10 : memref<64xi32, #tpu.memory_space<vmem>>) semaphore(%arg25 : memref<!tpu.dma_semaphore, #tpu.memory_space<semaphore_mem>>) {add = true}
      } else {
      }
      %scan3A_193 = arith.constant 0 : i32
      scf.yield %scan3A_193 : i32
    }
    %scan3A_81 = arith.constant 80 : i32
    %add3A_82 = arith.constant 160 : i32
    %add3A_83 = arith.addi %mul3A_2, %add3A_82 : i32
    %sub3A_84 = arith.constant 1 : i32
    %sub3A_85 = arith.subi %add3A_83, %sub3A_84 : i32
    %lt3A_86 = arith.constant 5000 : i32
    %lt3A_87 = arith.cmpi slt, %sub3A_85, %lt3A_86 : i32
    %convert_element_type3A_88 = arith.extui %lt3A_87 : i1 to i32
    %cond3A_89 = arith.constant 0 : i32
    %cond3A_90 = arith.cmpi ne, %convert_element_type3A_88, %cond3A_89 : i32
    scf.if %cond3A_90 {
      %dma_wait3A = arith.constant 0 : i32
      %dma_wait3A_96 = arith.constant 0 : i32
      %dma_wait3A_97 = tpu.memref_slice %arg15[%dma_wait3A, %dma_wait3A_96] : memref<10240x128xf32, #tpu.memory_space<vmem_shared>> -> memref<10240x128xf32, #tpu.memory_space<vmem_shared>>
      tpu.wait_indirect_dma semaphore(%arg25 : memref<!tpu.dma_semaphore, #tpu.memory_space<semaphore_mem>>) src(%arg12 : memref<64x128xf32, #tpu.memory_space<vmem>>) dst(%dma_wait3A_97 : memref<10240x128xf32, #tpu.memory_space<vmem_shared>>)
    } else {
    }
    %barrier3A_91 = arith.constant 0 : index
    tpu.barrier barrier_id(%barrier3A_91)
    %mul3A_92 = arith.constant 640 : i32
    %mul3A_93 = arith.muli %arg1, %mul3A_92 : i32
    %mul3A_94 = arith.constant 640 : i32
    %mul3A_95 = arith.muli %arg1, %mul3A_94 : i32
    "tpu.region"() ({
      %run_scoped3A = tpu.sem_alloc : memref<!tpu.dma_semaphore, #tpu.memory_space<semaphore_mem>>
      %dma_start3A = arith.constant 0 : i32
      %dma_start3A_96 = tpu.memref_slice %arg6[%arg0, %mul3A_95, %dma_start3A] : memref<2x10240x128xf32, #tpu.memory_space<hbm>> -> memref<1x640x128xf32, #tpu.memory_space<hbm>>
      %dma_start3A_97 = tpu.memref_squeeze %dma_start3A_96 : memref<1x640x128xf32, #tpu.memory_space<hbm>> -> memref<640x128xf32, #tpu.memory_space<hbm>>
      %dma_start3A_98 = arith.constant 0 : i32
      %dma_start3A_99 = tpu.memref_slice %arg15[%mul3A_93, %dma_start3A_98] : memref<10240x128xf32, #tpu.memory_space<vmem_shared>> -> memref<640x128xf32, #tpu.memory_space<vmem_shared>>
      tpu.enqueue_dma source(%dma_start3A_99 : memref<640x128xf32, #tpu.memory_space<vmem_shared>>) target(%dma_start3A_97 : memref<640x128xf32, #tpu.memory_space<hbm>>) target_semaphore(%run_scoped3A : memref<!tpu.dma_semaphore, #tpu.memory_space<semaphore_mem>>)
      %dma_wait3A = arith.constant 0 : i32
      %dma_wait3A_100 = tpu.memref_slice %arg6[%arg0, %mul3A_95, %dma_wait3A] : memref<2x10240x128xf32, #tpu.memory_space<hbm>> -> memref<1x640x128xf32, #tpu.memory_space<hbm>>
      %dma_wait3A_101 = tpu.memref_squeeze %dma_wait3A_100 : memref<1x640x128xf32, #tpu.memory_space<hbm>> -> memref<640x128xf32, #tpu.memory_space<hbm>>
      %dma_wait3A_102 = arith.constant 0 : i32
      %dma_wait3A_103 = tpu.memref_slice %arg15[%mul3A_93, %dma_wait3A_102] : memref<10240x128xf32, #tpu.memory_space<vmem_shared>> -> memref<640x128xf32, #tpu.memory_space<vmem_shared>>
      tpu.wait_dma2 semaphore(%run_scoped3A : memref<!tpu.dma_semaphore, #tpu.memory_space<semaphore_mem>>) src(%dma_wait3A_103 : memref<640x128xf32, #tpu.memory_space<vmem_shared>>) dst(%dma_wait3A_101 : memref<640x128xf32, #tpu.memory_space<hbm>>)
      tpu.yield
    }) : () -> ()
    return
  }
}

module attributes {stable_mosaic.version = 14 : i64} {
  func.func @_matmul_body(%arg0: i32, %arg1: memref<2560x16xf32, #tpu.memory_space<vmem>>, %arg2: memref<16x128xf32, #tpu.memory_space<vmem>>, %arg3: memref<1x128xf32, #tpu.memory_space<vmem>>, %arg4: memref<2560x128xf32, #tpu.memory_space<vmem>>) attributes {dimension_semantics = [#tpu.dimension_semantics<arbitrary>], iteration_bounds = array<i64: 125>, scalar_prefetch = 0 : i64, scratch_operands = 0 : i64, tpu.core_type = #tpu.core_type<tc>, window_params = [{transform_indices = @transform_0, window_bounds = array<i64: 2560, 16>}, {pipeline_mode = #tpu.pipeline_mode<synchronous>, transform_indices = @transform_1, window_bounds = array<i64: 16, 128>}, {pipeline_mode = #tpu.pipeline_mode<synchronous>, transform_indices = @transform_2, window_bounds = array<i64: 1, 128>}, {transform_indices = @transform_3, window_bounds = array<i64: 2560, 128>}]} {
    %get3A = arith.constant 0 : index
    %get3A_0 = arith.constant 0 : index
    %get3A_1 = vector.load %arg1[%get3A, %get3A_0] : memref<2560x16xf32, #tpu.memory_space<vmem>>, vector<2560x16xf32>
    %get3A_2 = arith.constant 0 : index
    %get3A_3 = arith.constant 0 : index
    %get3A_4 = vector.load %arg2[%get3A_2, %get3A_3] : memref<16x128xf32, #tpu.memory_space<vmem>>, vector<16x128xf32>
    %dot_general3A = arith.constant dense<0.000000e+00> : vector<2560x128xf32>
    %dot_general3A_5 = tpu.matmul %get3A_1, %get3A_4, %dot_general3A {dimension_numbers = #tpu.dot_dimension_numbers<[1], [0], [0], [1], [0, 0, 1, 1], [], []>, transpose_lhs_hint = false} : vector<2560x16xf32>, vector<16x128xf32>, vector<2560x128xf32> -> vector<2560x128xf32>
    %get3A_6 = arith.constant 0 : index
    %get3A_7 = arith.constant 0 : index
    %get3A_8 = vector.load %arg3[%get3A_6, %get3A_7] : memref<1x128xf32, #tpu.memory_space<vmem>>, vector<1x128xf32>
    %add3A = vector.broadcast %get3A_8 : vector<1x128xf32> to vector<2560x128xf32>
    %add3A_9 = arith.addf %dot_general3A_5, %add3A : vector<2560x128xf32>
    %swap3A = arith.constant 0 : index
    %swap3A_10 = arith.constant 0 : index
    %swap3A_11 = vector.load %arg4[%swap3A, %swap3A_10] : memref<2560x128xf32, #tpu.memory_space<vmem>>, vector<2560x128xf32>
    tpu.vector_store %arg4[%swap3A, %swap3A_10], %add3A_9 {strides = array<i32>} : memref<2560x128xf32, #tpu.memory_space<vmem>>, vector<2560x128xf32>,
    return
  }
  func.func @transform_0(%arg0: i32) -> (i32, i32) {
    %c0_i32 = arith.constant 0 : i32
    %c0_i32_0 = arith.constant 0 : i32
    return %arg0, %c0_i32 : i32, i32
  }
  func.func @transform_1(%arg0: i32) -> (i32, i32) {
    %c0_i32 = arith.constant 0 : i32
    %c0_i32_0 = arith.constant 0 : i32
    %c0_i32_1 = arith.constant 0 : i32
    return %c0_i32, %c0_i32_0 : i32, i32
  }
  func.func @transform_2(%arg0: i32) -> (i32, i32) {
    %c0_i32 = arith.constant 0 : i32
    %c0_i32_0 = arith.constant 0 : i32
    %c0_i32_1 = arith.constant 0 : i32
    return %c0_i32, %c0_i32_0 : i32, i32
  }
  func.func @transform_3(%arg0: i32) -> (i32, i32) {
    %c0_i32 = arith.constant 0 : i32
    %c0_i32_0 = arith.constant 0 : i32
    return %arg0, %c0_i32 : i32, i32
  }
}

module attributes {stable_mosaic.version = 14 : i64} {
  func.func @_matmul_body(%arg0: i32, %arg1: memref<2000x128xf32, #tpu.memory_space<vmem>>, %arg2: memref<128x128xf32, #tpu.memory_space<vmem>>, %arg3: memref<1x128xf32, #tpu.memory_space<vmem>>, %arg4: memref<2000x128xf32, #tpu.memory_space<vmem>>) attributes {dimension_semantics = [#tpu.dimension_semantics<arbitrary>], iteration_bounds = array<i64: 5>, scalar_prefetch = 0 : i64, scratch_operands = 0 : i64, tpu.core_type = #tpu.core_type<tc>, window_params = [{transform_indices = @transform_0, window_bounds = array<i64: 2000, 128>}, {pipeline_mode = #tpu.pipeline_mode<synchronous>, transform_indices = @transform_1, window_bounds = array<i64: 128, 128>}, {pipeline_mode = #tpu.pipeline_mode<synchronous>, transform_indices = @transform_2, window_bounds = array<i64: 1, 128>}, {transform_indices = @transform_3, window_bounds = array<i64: 2000, 128>}]} {
    %get3A = arith.constant 0 : index
    %get3A_0 = arith.constant 0 : index
    %get3A_1 = vector.load %arg1[%get3A, %get3A_0] : memref<2000x128xf32, #tpu.memory_space<vmem>>, vector<2000x128xf32>
    %get3A_2 = arith.constant 0 : index
    %get3A_3 = arith.constant 0 : index
    %get3A_4 = vector.load %arg2[%get3A_2, %get3A_3] : memref<128x128xf32, #tpu.memory_space<vmem>>, vector<128x128xf32>
    %dot_general3A = arith.constant dense<0.000000e+00> : vector<2000x128xf32>
    %dot_general3A_5 = tpu.matmul %get3A_1, %get3A_4, %dot_general3A {dimension_numbers = #tpu.dot_dimension_numbers<[1], [0], [0], [1], [0, 0, 1, 1], [], []>, transpose_lhs_hint = false} : vector<2000x128xf32>, vector<128x128xf32>, vector<2000x128xf32> -> vector<2000x128xf32>
    %get3A_6 = arith.constant 0 : index
    %get3A_7 = arith.constant 0 : index
    %get3A_8 = vector.load %arg3[%get3A_6, %get3A_7] : memref<1x128xf32, #tpu.memory_space<vmem>>, vector<1x128xf32>
    %add3A = vector.broadcast %get3A_8 : vector<1x128xf32> to vector<2000x128xf32>
    %add3A_9 = arith.addf %dot_general3A_5, %add3A : vector<2000x128xf32>
    %swap3A = arith.constant 0 : index
    %swap3A_10 = arith.constant 0 : index
    %swap3A_11 = vector.load %arg4[%swap3A, %swap3A_10] : memref<2000x128xf32, #tpu.memory_space<vmem>>, vector<2000x128xf32>
    tpu.vector_store %arg4[%swap3A, %swap3A_10], %add3A_9 {strides = array<i32>} : memref<2000x128xf32, #tpu.memory_space<vmem>>, vector<2000x128xf32>,
    return
  }
  func.func @transform_0(%arg0: i32) -> (i32, i32) {
    %c0_i32 = arith.constant 0 : i32
    %c0_i32_0 = arith.constant 0 : i32
    return %arg0, %c0_i32 : i32, i32
  }
  func.func @transform_1(%arg0: i32) -> (i32, i32) {
    %c0_i32 = arith.constant 0 : i32
    %c0_i32_0 = arith.constant 0 : i32
    %c0_i32_1 = arith.constant 0 : i32
    return %c0_i32, %c0_i32_0 : i32, i32
  }
  func.func @transform_2(%arg0: i32) -> (i32, i32) {
    %c0_i32 = arith.constant 0 : i32
    %c0_i32_0 = arith.constant 0 : i32
    %c0_i32_1 = arith.constant 0 : i32
    return %c0_i32, %c0_i32_0 : i32, i32
  }
  func.func @transform_3(%arg0: i32) -> (i32, i32) {
    %c0_i32 = arith.constant 0 : i32
    %c0_i32_0 = arith.constant 0 : i32
    return %arg0, %c0_i32 : i32, i32
  }
}

module attributes {stable_mosaic.version = 14 : i64} {
  func.func @_mlp_body(%arg0: i32, %arg1: memref<2000x128xf32, #tpu.memory_space<vmem>>, %arg2: memref<1x2000x128xf32, #tpu.memory_space<vmem>>, %arg3: memref<1x2000x128xf32, #tpu.memory_space<vmem>>, %arg4: memref<128x256xf32, #tpu.memory_space<vmem>>, %arg5: memref<1x256xf32, #tpu.memory_space<vmem>>, %arg6: memref<256x128xf32, #tpu.memory_space<vmem>>, %arg7: memref<1x128xf32, #tpu.memory_space<vmem>>, %arg8: memref<2000x128xf32, #tpu.memory_space<vmem>>, %arg9: memref<2x128xf32, #tpu.memory_space<vmem>>) attributes {dimension_semantics = [#tpu.dimension_semantics<arbitrary>], iteration_bounds = array<i64: 5>, scalar_prefetch = 0 : i64, scratch_operands = 0 : i64, tpu.core_type = #tpu.core_type<tc>, window_params = [{transform_indices = @transform_0, window_bounds = array<i64: 2000, 128>}, {transform_indices = @transform_1, window_bounds = array<i64: 1, 2000, 128>}, {transform_indices = @transform_2, window_bounds = array<i64: 1, 2000, 128>}, {pipeline_mode = #tpu.pipeline_mode<synchronous>, transform_indices = @transform_3, window_bounds = array<i64: 128, 256>}, {pipeline_mode = #tpu.pipeline_mode<synchronous>, transform_indices = @transform_4, window_bounds = array<i64: 1, 256>}, {pipeline_mode = #tpu.pipeline_mode<synchronous>, transform_indices = @transform_5, window_bounds = array<i64: 256, 128>}, {pipeline_mode = #tpu.pipeline_mode<synchronous>, transform_indices = @transform_6, window_bounds = array<i64: 1, 128>}, {transform_indices = @transform_7, window_bounds = array<i64: 2000, 128>}, {pipeline_mode = #tpu.pipeline_mode<synchronous>, transform_indices = @transform_8, window_bounds = array<i64: 2, 128>}]} {
    %get3A = arith.constant 0 : index
    %get3A_0 = arith.constant 0 : index
    %get3A_1 = vector.load %arg1[%get3A, %get3A_0] : memref<2000x128xf32, #tpu.memory_space<vmem>>, vector<2000x128xf32>
    %get3A_2 = arith.constant 0 : index
    %get3A_3 = arith.constant 0 : index
    %get3A_4 = arith.constant 0 : index
    %get3A_5 = vector.load %arg2[%get3A_2, %get3A_3, %get3A_4] : memref<1x2000x128xf32, #tpu.memory_space<vmem>>, vector<1x2000x128xf32>
    %get3A_6 = vector.shape_cast %get3A_5 : vector<1x2000x128xf32> to vector<2000x128xf32>
    %add3A = arith.addf %get3A_1, %get3A_6 : vector<2000x128xf32>
    %get3A_7 = arith.constant 0 : index
    %get3A_8 = arith.constant 0 : index
    %get3A_9 = arith.constant 0 : index
    %get3A_10 = vector.load %arg3[%get3A_7, %get3A_8, %get3A_9] : memref<1x2000x128xf32, #tpu.memory_space<vmem>>, vector<1x2000x128xf32>
    %get3A_11 = vector.shape_cast %get3A_10 : vector<1x2000x128xf32> to vector<2000x128xf32>
    %add3A_12 = arith.addf %add3A, %get3A_11 : vector<2000x128xf32>
    %get3A_13 = arith.constant 0 : index
    %get3A_14 = arith.constant 0 : index
    %get3A_15 = vector.load %arg4[%get3A_13, %get3A_14] : memref<128x256xf32, #tpu.memory_space<vmem>>, vector<128x256xf32>
    %dot_general3A = arith.constant dense<0.000000e+00> : vector<2000x256xf32>
    %dot_general3A_16 = tpu.matmul %add3A_12, %get3A_15, %dot_general3A {dimension_numbers = #tpu.dot_dimension_numbers<[1], [0], [0], [1], [0, 0, 1, 1], [], []>, transpose_lhs_hint = false} : vector<2000x128xf32>, vector<128x256xf32>, vector<2000x256xf32> -> vector<2000x256xf32>
    %get3A_17 = arith.constant 0 : index
    %get3A_18 = arith.constant 0 : index
    %get3A_19 = vector.load %arg5[%get3A_17, %get3A_18] : memref<1x256xf32, #tpu.memory_space<vmem>>, vector<1x256xf32>
    %add3A_20 = vector.broadcast %get3A_19 : vector<1x256xf32> to vector<2000x256xf32>
    %add3A_21 = arith.addf %dot_general3A_16, %add3A_20 : vector<2000x256xf32>
    %max3A = arith.constant 0.000000e+00 : f32
    %max3A_22 = vector.broadcast %max3A : f32 to vector<2000x256xf32>
    %max3A_23 = arith.maximumf %add3A_21, %max3A_22 : vector<2000x256xf32>
    %get3A_24 = arith.constant 0 : index
    %get3A_25 = arith.constant 0 : index
    %get3A_26 = vector.load %arg6[%get3A_24, %get3A_25] : memref<256x128xf32, #tpu.memory_space<vmem>>, vector<256x128xf32>
    %dot_general3A_27 = arith.constant dense<0.000000e+00> : vector<2000x128xf32>
    %dot_general3A_28 = tpu.matmul %max3A_23, %get3A_26, %dot_general3A_27 {dimension_numbers = #tpu.dot_dimension_numbers<[1], [0], [0], [1], [0, 0, 1, 1], [], []>, transpose_lhs_hint = false} : vector<2000x256xf32>, vector<256x128xf32>, vector<2000x128xf32> -> vector<2000x128xf32>
    %get3A_29 = arith.constant 0 : index
    %get3A_30 = arith.constant 0 : index
    %get3A_31 = vector.load %arg7[%get3A_29, %get3A_30] : memref<1x128xf32, #tpu.memory_space<vmem>>, vector<1x128xf32>
    %add3A_32 = vector.broadcast %get3A_31 : vector<1x128xf32> to vector<2000x128xf32>
    %add3A_33 = arith.addf %dot_general3A_28, %add3A_32 : vector<2000x128xf32>
    %swap3A = arith.constant 0 : index
    %swap3A_34 = arith.constant 0 : index
    %swap3A_35 = vector.load %arg8[%swap3A, %swap3A_34] : memref<2000x128xf32, #tpu.memory_space<vmem>>, vector<2000x128xf32>
    tpu.vector_store %arg8[%swap3A, %swap3A_34], %add3A_33 {strides = array<i32>} : memref<2000x128xf32, #tpu.memory_space<vmem>>, vector<2000x128xf32>,
    %eq3A = arith.constant 0 : i32
    %eq3A_36 = arith.cmpi eq, %arg0, %eq3A : i32
    %convert_element_type3A = arith.extui %eq3A_36 : i1 to i32
    %cond3A = arith.constant 0 : i32
    %cond3A_37 = arith.cmpi ne, %convert_element_type3A, %cond3A : i32
    scf.if %cond3A_37 {
      %broadcast_in_dim3A_56 = arith.constant 0.000000e+00 : f32
      %broadcast_in_dim3A_57 = vector.broadcast %broadcast_in_dim3A_56 : f32 to vector<2x128xf32>
      %swap3A_58 = arith.constant 0 : index
      %swap3A_59 = arith.constant 0 : index
      %swap3A_60 = vector.load %arg9[%swap3A_58, %swap3A_59] : memref<2x128xf32, #tpu.memory_space<vmem>>, vector<2x128xf32>
      tpu.vector_store %arg9[%swap3A_58, %swap3A_59], %broadcast_in_dim3A_57 {strides = array<i32>} : memref<2x128xf32, #tpu.memory_space<vmem>>, vector<2x128xf32>,
    } else {
    }
    %get3A_38 = arith.constant 0 : index
    %get3A_39 = arith.constant 0 : index
    %get3A_40 = vector.load %arg9[%get3A_38, %get3A_39] : memref<2x128xf32, #tpu.memory_space<vmem>>, vector<1x128xf32>
    %reduce_sum3A = arith.constant dense<0.000000e+00> : vector<128xf32>
    %reduce_sum3A_41 = vector.multi_reduction <add>, %add3A_33, %reduce_sum3A [0] : vector<2000x128xf32> to vector<128xf32>
    %broadcast_in_dim3A = vector.shape_cast %reduce_sum3A_41 : vector<128xf32> to vector<1x128xf32>
    %add3A_42 = arith.addf %get3A_40, %broadcast_in_dim3A : vector<1x128xf32>
    %swap3A_43 = arith.constant 0 : index
    %swap3A_44 = arith.constant 0 : index
    %swap3A_45 = vector.load %arg9[%swap3A_43, %swap3A_44] : memref<2x128xf32, #tpu.memory_space<vmem>>, vector<1x128xf32>
    tpu.vector_store %arg9[%swap3A_43, %swap3A_44], %add3A_42 {strides = array<i32>} : memref<2x128xf32, #tpu.memory_space<vmem>>, vector<1x128xf32>,
    %get3A_46 = arith.constant 1 : index
    %get3A_47 = arith.constant 0 : index
    %get3A_48 = vector.load %arg9[%get3A_46, %get3A_47] : memref<2x128xf32, #tpu.memory_space<vmem>>, vector<1x128xf32>
    %mul3A = arith.mulf %add3A_33, %add3A_33 : vector<2000x128xf32>
    %reduce_sum3A_49 = arith.constant dense<0.000000e+00> : vector<128xf32>
    %reduce_sum3A_50 = vector.multi_reduction <add>, %mul3A, %reduce_sum3A_49 [0] : vector<2000x128xf32> to vector<128xf32>
    %broadcast_in_dim3A_51 = vector.shape_cast %reduce_sum3A_50 : vector<128xf32> to vector<1x128xf32>
    %add3A_52 = arith.addf %get3A_48, %broadcast_in_dim3A_51 : vector<1x128xf32>
    %swap3A_53 = arith.constant 1 : index
    %swap3A_54 = arith.constant 0 : index
    %swap3A_55 = vector.load %arg9[%swap3A_53, %swap3A_54] : memref<2x128xf32, #tpu.memory_space<vmem>>, vector<1x128xf32>
    tpu.vector_store %arg9[%swap3A_53, %swap3A_54], %add3A_52 {strides = array<i32>} : memref<2x128xf32, #tpu.memory_space<vmem>>, vector<1x128xf32>,
    return
  }
  func.func @transform_0(%arg0: i32) -> (i32, i32) {
    %c0_i32 = arith.constant 0 : i32
    %c0_i32_0 = arith.constant 0 : i32
    return %arg0, %c0_i32 : i32, i32
  }
  func.func @transform_1(%arg0: i32) -> (i32, i32, i32) {
    %c0_i32 = arith.constant 0 : i32
    %c0_i32_0 = arith.constant 0 : i32
    %c0_i32_1 = arith.constant 0 : i32
    return %c0_i32, %arg0, %c0_i32_0 : i32, i32, i32
  }
  func.func @transform_2(%arg0: i32) -> (i32, i32, i32) {
    %c1_i32 = arith.constant 1 : i32
    %c0_i32 = arith.constant 0 : i32
    %c0_i32_0 = arith.constant 0 : i32
    return %c1_i32, %arg0, %c0_i32 : i32, i32, i32
  }
  func.func @transform_3(%arg0: i32) -> (i32, i32) {
    %c0_i32 = arith.constant 0 : i32
    %c0_i32_0 = arith.constant 0 : i32
    %c0_i32_1 = arith.constant 0 : i32
    return %c0_i32, %c0_i32_0 : i32, i32
  }
  func.func @transform_4(%arg0: i32) -> (i32, i32) {
    %c0_i32 = arith.constant 0 : i32
    %c0_i32_0 = arith.constant 0 : i32
    %c0_i32_1 = arith.constant 0 : i32
    return %c0_i32, %c0_i32_0 : i32, i32
  }
  func.func @transform_5(%arg0: i32) -> (i32, i32) {
    %c0_i32 = arith.constant 0 : i32
    %c0_i32_0 = arith.constant 0 : i32
    %c0_i32_1 = arith.constant 0 : i32
    return %c0_i32, %c0_i32_0 : i32, i32
  }
  func.func @transform_6(%arg0: i32) -> (i32, i32) {
    %c0_i32 = arith.constant 0 : i32
    %c0_i32_0 = arith.constant 0 : i32
    %c0_i32_1 = arith.constant 0 : i32
    return %c0_i32, %c0_i32_0 : i32, i32
  }
  func.func @transform_7(%arg0: i32) -> (i32, i32) {
    %c0_i32 = arith.constant 0 : i32
    %c0_i32_0 = arith.constant 0 : i32
    return %arg0, %c0_i32 : i32, i32
  }
  func.func @transform_8(%arg0: i32) -> (i32, i32) {
    %c0_i32 = arith.constant 0 : i32
    %c0_i32_0 = arith.constant 0 : i32
    %c0_i32_1 = arith.constant 0 : i32
    return %c0_i32, %c0_i32_0 : i32, i32
  }
}

module attributes {stable_mosaic.version = 14 : i64} {
  func.func @_bn_body(%arg0: i32, %arg1: memref<2000x128xf32, #tpu.memory_space<vmem>>, %arg2: memref<2x128xf32, #tpu.memory_space<vmem>>, %arg3: memref<1x128xf32, #tpu.memory_space<vmem>>, %arg4: memref<1x128xf32, #tpu.memory_space<vmem>>, %arg5: memref<2000x128xf32, #tpu.memory_space<vmem>>) attributes {dimension_semantics = [#tpu.dimension_semantics<arbitrary>], iteration_bounds = array<i64: 5>, scalar_prefetch = 0 : i64, scratch_operands = 0 : i64, tpu.core_type = #tpu.core_type<tc>, window_params = [{transform_indices = @transform_0, window_bounds = array<i64: 2000, 128>}, {pipeline_mode = #tpu.pipeline_mode<synchronous>, transform_indices = @transform_1, window_bounds = array<i64: 2, 128>}, {pipeline_mode = #tpu.pipeline_mode<synchronous>, transform_indices = @transform_2, window_bounds = array<i64: 1, 128>}, {pipeline_mode = #tpu.pipeline_mode<synchronous>, transform_indices = @transform_3, window_bounds = array<i64: 1, 128>}, {transform_indices = @transform_4, window_bounds = array<i64: 2000, 128>}]} {
    %get3A = arith.constant 0 : index
    %get3A_0 = arith.constant 0 : index
    %get3A_1 = vector.load %arg2[%get3A, %get3A_0] : memref<2x128xf32, #tpu.memory_space<vmem>>, vector<1x128xf32>
    %mul3A = arith.constant 9.99999974E-5 : f32
    %mul3A_2 = vector.broadcast %mul3A : f32 to vector<1x128xf32>
    %mul3A_3 = arith.mulf %get3A_1, %mul3A_2 : vector<1x128xf32>
    %get3A_4 = arith.constant 1 : index
    %get3A_5 = arith.constant 0 : index
    %get3A_6 = vector.load %arg2[%get3A_4, %get3A_5] : memref<2x128xf32, #tpu.memory_space<vmem>>, vector<1x128xf32>
    %mul3A_7 = arith.constant 9.99999974E-5 : f32
    %mul3A_8 = vector.broadcast %mul3A_7 : f32 to vector<1x128xf32>
    %mul3A_9 = arith.mulf %get3A_6, %mul3A_8 : vector<1x128xf32>
    %mul3A_10 = arith.mulf %mul3A_3, %mul3A_3 : vector<1x128xf32>
    %sub3A = arith.subf %mul3A_9, %mul3A_10 : vector<1x128xf32>
    %add3A = arith.constant 9.99999974E-6 : f32
    %add3A_11 = vector.broadcast %add3A : f32 to vector<1x128xf32>
    %add3A_12 = arith.addf %sub3A, %add3A_11 : vector<1x128xf32>
    %rsqrt3A = math.rsqrt %add3A_12 : vector<1x128xf32>
    %get3A_13 = arith.constant 0 : index
    %get3A_14 = arith.constant 0 : index
    %get3A_15 = vector.load %arg1[%get3A_13, %get3A_14] : memref<2000x128xf32, #tpu.memory_space<vmem>>, vector<2000x128xf32>
    %sub3A_16 = vector.broadcast %mul3A_3 : vector<1x128xf32> to vector<2000x128xf32>
    %sub3A_17 = arith.subf %get3A_15, %sub3A_16 : vector<2000x128xf32>
    %mul3A_18 = vector.broadcast %rsqrt3A : vector<1x128xf32> to vector<2000x128xf32>
    %mul3A_19 = arith.mulf %sub3A_17, %mul3A_18 : vector<2000x128xf32>
    %get3A_20 = arith.constant 0 : index
    %get3A_21 = arith.constant 0 : index
    %get3A_22 = vector.load %arg3[%get3A_20, %get3A_21] : memref<1x128xf32, #tpu.memory_space<vmem>>, vector<1x128xf32>
    %mul3A_23 = vector.broadcast %get3A_22 : vector<1x128xf32> to vector<2000x128xf32>
    %mul3A_24 = arith.mulf %mul3A_19, %mul3A_23 : vector<2000x128xf32>
    %get3A_25 = arith.constant 0 : index
    %get3A_26 = arith.constant 0 : index
    %get3A_27 = vector.load %arg4[%get3A_25, %get3A_26] : memref<1x128xf32, #tpu.memory_space<vmem>>, vector<1x128xf32>
    %add3A_28 = vector.broadcast %get3A_27 : vector<1x128xf32> to vector<2000x128xf32>
    %add3A_29 = arith.addf %mul3A_24, %add3A_28 : vector<2000x128xf32>
    %swap3A = arith.constant 0 : index
    %swap3A_30 = arith.constant 0 : index
    %swap3A_31 = vector.load %arg5[%swap3A, %swap3A_30] : memref<2000x128xf32, #tpu.memory_space<vmem>>, vector<2000x128xf32>
    tpu.vector_store %arg5[%swap3A, %swap3A_30], %add3A_29 {strides = array<i32>} : memref<2000x128xf32, #tpu.memory_space<vmem>>, vector<2000x128xf32>,
    return
  }
  func.func @transform_0(%arg0: i32) -> (i32, i32) {
    %c0_i32 = arith.constant 0 : i32
    %c0_i32_0 = arith.constant 0 : i32
    return %arg0, %c0_i32 : i32, i32
  }
  func.func @transform_1(%arg0: i32) -> (i32, i32) {
    %c0_i32 = arith.constant 0 : i32
    %c0_i32_0 = arith.constant 0 : i32
    %c0_i32_1 = arith.constant 0 : i32
    return %c0_i32, %c0_i32_0 : i32, i32
  }
  func.func @transform_2(%arg0: i32) -> (i32, i32) {
    %c0_i32 = arith.constant 0 : i32
    %c0_i32_0 = arith.constant 0 : i32
    %c0_i32_1 = arith.constant 0 : i32
    return %c0_i32, %c0_i32_0 : i32, i32
  }
  func.func @transform_3(%arg0: i32) -> (i32, i32) {
    %c0_i32 = arith.constant 0 : i32
    %c0_i32_0 = arith.constant 0 : i32
    %c0_i32_1 = arith.constant 0 : i32
    return %c0_i32, %c0_i32_0 : i32, i32
  }
  func.func @transform_4(%arg0: i32) -> (i32, i32) {
    %c0_i32 = arith.constant 0 : i32
    %c0_i32_0 = arith.constant 0 : i32
    return %arg0, %c0_i32 : i32, i32
  }
}

</mosaic_0001>

<sc_bundles>
// kernel: kernel.7.cloned.1.call-start
scs
__scs_entry_jumppad:
0x0: {  	(pc) =	sbr.rel $0x88, $3  }
0x1: {  	(tag) =	ssettag $0x0;
	lr =	simm.s32 $0x1  }
0x2: {  	[smem:$0x3F94] =	sst lr;
	_ =	strace $0xD0000000  }
0x3: {  	_ = 	snop  }
0x4: {  	_ = 	snop  }
0x5: {  	_ = 	snop  }
0x6: {  	_ = 	snop  }
0x7: {  	_ = 	snop  }
__scs_overlays_trampoline_lowered:
0x8: {  	[smem:$0x3FA3] =	sst s0  }
0x9: {  	[smem:$0x3FA4] =	sst s1  }
0xa: {  	[smem:$0x3FA5] =	sst s2  }
0xb: {  	[smem:$0x3FA6] =	sst s3  }
0xc: {  	[smem:$0x3FA7] =	sst s4  }
0xd: {  	[smem:$0x3FA8] =	sst s5  }
0xe: {  	[smem:$0x3FA9] =	sst s6  }
0xf: {  	[smem:$0x3FAA] =	sst s7  }
0x10: {  	[smem:$0x3FAB] =	sst s8  }
0x11: {  	[smem:$0x3FAC] =	sst s9;
	s0 =	simm.s32 @!p0 $0x0  }
0x12: {  	s1 =	sld [smem:$0x3F92];
	s0 =	simm.s32 @p0 $0x1  }
0x13: {  	[smem:$0x3FAD] =	sst s0;
	s0 =	simm.s32 @!p1 $0x0  }
0x14: {  	s2 =	sld [smem:$0x3F91];
	s0 =	simm.s32 @p1 $0x1  }
0x15: {  	[smem:$0x3FAE] =	sst s0;
	s0 =	simm.s32 @!p2 $0x0  }
0x16: {  	s3 =	sld [smem:$0x3FDB];
	s0 =	simm.s32 @p2 $0x1  }
0x17: {  	s4 =	simm.s32 $0x1BF5;
	[smem:$0x3FB0] =	sst s0  }
0x18: {  	s0 =	sld [smem:$0x3F93];
	_ =	swait.ge [sflag:s4], $0x0  }
0x19: {  	s7 =	sld [smem:$0x3F94]  }
0x1a: {  	s8 =	sadd.s32 $0xFFFFE003, lr  }
0x1b: {  	s9 =	sadd.s32 $0xFFFFFEF7, lr;
	s5 =	simm.s32 $0xFFFFFFFF;
	p2 =	slt.u32 s8, $0xFFFFF086  }
0x1c: {  	p1 =	slt.u32 s9, $0xF7A;
	s5 =	simm.s32 @!p2 $0x0  }
0x1d: {  	s5 =	simm.s32 @p1 $0x1;
	p0 =	seq.s32 s7, s2  }
0x1e: {  	s7 =	smul.u32 @!p0 $0xF7A, s2;
	p2 =	seq.s32 @!p0 s5, $0x0  }
0x1f: {  	s9 =	smul.u32 $0xF7A, s1;
	s8 =	simm.s32 @!p0 $0x1BF5;
	p2 =	por !p2, p0  }
0x20: {  	[sflag:s8] =	ssyncset.s32 @!p0 $0xFFFFF086;
	s6 =	sadd.s32 @!p0 s3, s7;
	s7 =	simm.s32 @!p0 $0x108  }
0x21: {  	s3 =	sadd.s32 s3, s9;
	s6 =	sadd.s32 @!p0 $0x88, s6;
	s7 =	simm.s32 @p2 $0x1082  }
0x22: {  	[simem:s7], [sflag:s8] =	dma.local @!p0 [hbm:s6], $0xF7A  }
0x23: {  	s9 =	sor.u32 $0xD0000000, s2;
	s6 =	simm.s32 $0x108;
	_ =	swait.ge @!p0 [sflag:s8], $0x0  }
0x24: {  	s3 =	sadd.s32 $0x88, s3;
	s6 =	simm.s32 @!p1 $0x1082;
	[sflag:s4] =	ssyncset.s32 $0xFFFFF086  }
0x25: {  	[simem:s6], [sflag:s4] =	dma.local [hbm:s3], $0xF7A  }
0x26: {  	[smem:$0x3F94] =	sst s1;
	(tag) =	ssettag s2;
	_ =	strace s9  }
0x27: {  	s1 =	sld [smem:$0x3FA4]  }
0x28: {  	s2 =	sld [smem:$0x3FA5]  }
0x29: {  	s4 =	sld [smem:$0x3FA7]  }
0x2a: {  	p0 =	seq.s32 s5, $0x0;
	s5 =	sld [smem:$0x3FA8]  }
0x2b: {  	s6 =	sld [smem:$0x3FA9]  }
0x2c: {  	s7 =	sld [smem:$0x3FAA]  }
0x2d: {  	s3 =	simm.s32 $0x108;
	s8 =	sld [smem:$0x3FAB]  }
0x2e: {  	s3 =	simm.s32 @!p0 $0x1082;
	s9 =	sld [smem:$0x3FAC]  }
0x2f: {  	lr =	sadd.s32 s0, s3;
	s0 =	sld [smem:$0x3FA3]  }
0x30: {  	s3 =	sld [smem:$0x3FA6]  }
0x31: {  	[smem:$0x3FAF] =	sst s10  }
0x32: {  	s10 =	sld [smem:$0x3FAD];
	_ =	sdelay $0x3  }
0x33: {  	p0 =	seq.s32 s10, $0x1;
	s10 =	sld [smem:$0x3FAF];
	_ =	sdelay $0x3  }
0x34: {  	[smem:$0x3FAF] =	sst s10  }
0x35: {  	s10 =	sld [smem:$0x3FAE];
	_ =	sdelay $0x3  }
0x36: {  	p1 =	seq.s32 s10, $0x1;
	s10 =	sld [smem:$0x3FAF];
	_ =	sdelay $0x3  }
0x37: {  	[smem:$0x3FAF] =	sst s10  }
0x38: {  	s10 =	sld [smem:$0x3FB0]  }
0x39: {  	_ = 	snop;
	(pc) =	sbr.ind lr, $3  }
0x3a: {  	_ = 	snop  }
0x3b: {  	_ = 	snop  }
0x3c: {  	p2 =	seq.s32 s10, $0x1;
	s10 =	sld [smem:$0x3FAF]  }
0x3d: {  	_ =	shalt  }
0x3e: {  	_ =	shalt  }
0x3f: {  	_ =	shalt  }
0x40: {  	_ =	shalt  }
0x41: {  	_ =	shalt  }
0x42: {  	_ =	shalt  }
0x43: {  	_ =	shalt  }
0x44: {  	_ =	shalt  }
0x45: {  	_ =	shalt  }
0x46: {  	_ =	shalt  }
0x47: {  	_ =	shalt  }
0x48: {  	_ =	shalt  }
0x49: {  	_ =	shalt  }
0x4a: {  	_ =	shalt  }
0x4b: {  	_ =	shalt  }
0x4c: {  	_ =	shalt  }
0x4d: {  	_ =	shalt  }
0x4e: {  	_ =	shalt  }
0x4f: {  	_ =	shalt  }
0x50: {  	_ =	shalt  }
0x51: {  	_ =	shalt  }
0x52: {  	_ =	shalt  }
0x53: {  	_ =	shalt  }
0x54: {  	_ =	shalt  }
0x55: {  	_ =	shalt  }
0x56: {  	_ =	shalt  }
0x57: {  	_ =	shalt  }
0x58: {  	_ =	shalt  }
0x59: {  	_ =	shalt  }
0x5a: {  	_ =	shalt  }
0x5b: {  	_ =	shalt  }
0x5c: {  	_ =	shalt  }
0x5d: {  	_ =	shalt  }
0x5e: {  	_ =	shalt  }
0x5f: {  	_ =	shalt  }
0x60: {  	_ =	shalt  }
0x61: {  	_ =	shalt  }
0x62: {  	_ =	shalt  }
0x63: {  	_ =	shalt  }
0x64: {  	_ =	shalt  }
0x65: {  	_ =	shalt  }
0x66: {  	_ =	shalt  }
0x67: {  	_ =	shalt  }
0x68: {  	_ =	shalt  }
0x69: {  	_ =	shalt  }
0x6a: {  	_ =	shalt  }
0x6b: {  	_ =	shalt  }
0x6c: {  	_ =	shalt  }
0x6d: {  	_ =	shalt  }
0x6e: {  	_ =	shalt  }
0x6f: {  	_ =	shalt  }
0x70: {  	_ =	shalt  }
0x71: {  	_ =	shalt  }
0x72: {  	_ =	shalt  }
0x73: {  	_ =	shalt  }
0x74: {  	_ =	shalt  }
0x75: {  	_ =	shalt  }
0x76: {  	_ =	shalt  }
0x77: {  	_ =	shalt  }
0x78: {  	_ =	shalt  }
0x79: {  	_ =	shalt  }
0x7a: {  	_ =	shalt  }
0x7b: {  	_ =	shalt  }
0x7c: {  	_ =	shalt  }
0x7d: {  	_ =	shalt  }
0x7e: {  	_ =	shalt  }
0x7f: {  	_ =	shalt  }
0x80: {  	_ =	shalt  }
0x81: {  	_ =	shalt  }
0x82: {  	_ =	shalt  }
0x83: {  	_ =	shalt  }
0x84: {  	_ =	shalt  }
0x85: {  	_ =	shalt  }
0x86: {  	_ =	shalt  }
0x87: {  	_ =	shalt  }
.Lfunc_end0:
.L_simem_size_0:
called_computation_lowered:
.L_overlay_start_0:
0x88: {  	s2 =	sld [smem:$0x3FD9]  }
0x89: {  	s3 =	sld [smem:$0x3FFE];
	_ =	sdelay $0x1  }
0x8a: {  	s1 =	srdreg.scid  }
0x8b: {  	s0 =	sand.u32 $0x1, s1  }
0x8c: {  	s17 =	sshll.u32 s0, $0xA;
	s2 =	sadd.s32 s3, s2  }
0x8d: {  	s2 =	sadd.s32 s2, s17  }
0x8e: {  	[smem:$0x3FBB] =	sst s2  }
0x8f: {  	_ = 	snop  }
0x90: {  	s2 =	sld [smem:$0x3FD0];
	(tm) =	ssettm $0x1  }
0x91: {  	s18 =	sld [smem:$0x3FFB];
	_ =	sdelay $0x3  }
0x92: {  	_ =	strace s18  }
0x93: {  	s3 =	sld [smem:$0x3FFC];
	_ =	sdelay $0x3  }
0x94: {  	_ =	strace s3  }
0x95: {  	s3 =	sld [smem:$0x3FFD];
	_ =	sdelay $0x3  }
0x96: {  	_ =	strace s3  }
0x97: {  	_ =	strace $0x8FFFFFFF  }
0x98: {  	s19 =	sld [smem:$0x3FDB];
	_ =	sdelay $0x1  }
0x99: {  	s4 =	simm.s32 $_scs_section_size  }
0x9a: {  	s5 =	simm.s32 $_size__tile_overlayer_lowered;
	s6 =	simm.s32 $_tile_overlayer_lowered  }
0x9b: {  	s22 =	simm.s32 $0x1BFF;
	s21 =	sshll.u32 s6, $0x1;
	s3 =	sadd.s32 s4, s19  }
0x9c: {  	s7 =	simm.s32 $0x0;
	s20 =	sshll.u32 s5, $0x1;
	s5 =	sadd.s32 s21, s3  }
0x9d: {  	[timem:s7], [sflag:s22] =	dma.local [hbm:s5], s20  }
0x9e: {  	_ =	swait.ge [sflag:s22], s20  }
0x9f: {  	s4 =	ssub.s32 $0x0, s20;
	[sflag:s22] =	ssyncset.done $0x0  }
0xa0: {  	[sflag:s22] =	ssyncadd.s32 s4;
	_ =	sdelay $0x1  }
0xa1: {  	s23 =	simm.s32 $0x1B8B  }
0xa2: {  	_ =	swait.ge [sflag:s23], $0x1  }
0xa3: {  	[sflag:s23] =	ssyncset.done $0x0  }
0xa4: {  	s25 =	simm.s32 $0x1B8E;
	s24 =	sld [smem:$0x3FFE];
	[sflag:s23] =	ssyncadd.s32 $0xFFFFFFFF  }
0xa5: {  	s26 =	simm.s32 $execute0_lowered;
	[smem:$0x3FD2] =	sst s25  }
0xa6: {  	s5 =	sshll.u32 s26, $0x1;
	_ =	strace $0x80000046;
	[dreg:$0x1] =	wrdreg $0xFFFFFFFF  }
0xa7: {  	s28 =	simm.s32 $_size_execute0_lowered;
	s3 =	sadd.s32 s3, s5;
	[dreg:$0x0] =	wrdreg $0x0  }
0xa8: {  	s5 =	sshll.u32 s28, $0x1;
	[dreg:$0x2] =	wrdreg s3  }
0xa9: {  	[dreg:$0x3] =	wrdreg s5  }
0xaa: {  	[dreg:$0x4] =	wrdreg $0xC0  }
0xab: {  	_ =	task [dreg:s7], $0x5FFFF  }
0xac: {  	[dreg:$0x1] =	wrdreg $0xFFFFFFFF  }
0xad: {  	[dreg:$0x0] =	wrdreg $0x60  }
0xae: {  	[dreg:$0x2] =	wrdreg s2  }
0xaf: {  	[dreg:$0x3] =	wrdreg s24  }
0xb0: {  	[dreg:$0x4] =	wrdreg $0x82000  }
0xb1: {  	[dreg:$0x5] =	wrdreg $0x9  }
0xb2: {  	_ =	task.clear_ibuf [dreg:s7], $0x6FFFF;
	_ =	strace $0x90000046  }
0xb3: {  	s29 =	simm.s32 $0x9;
	_ =	strace $0x80000048  }
0xb4: {  	_ =	swait.ge [sflag:s29], $0x1  }
0xb5: {  	[sflag:s29] =	ssyncadd.s32 $0xFFFFFFFF  }
0xb6: {  	_ =	strace $0x90000048  }
0xb7: {  	_ =	sfence  }
0xb8: {  	s30 =	sld [smem:$0x0];
	_ =	sdelay $0x2  }
0xb9: {  	s31 =	sshll.u32 s1, $0xD;
	s1 =	sshrl.u32 s1, $0x2  }
0xba: {  	s3 =	sand.u32 $0x4000, s31;
	s1 =	sadd.s32 s1, s30  }
0xbb: {  	s0 =	sor.u32 s3, s0;
	s1 =	sshll.u32 s1, $0x11  }
0xbc: {  	s0 =	sor.u32 s1, s0  }
0xbd: {  	s0 =	sadd.s32 $0x8F2B, s0  }
0xbe: {  	[sflag:s0] =	ssyncadd.remote.s32 $0x1  }
0xbf: {  	_ =	sfence.sel $0xFFFF  }
0xc0: {  	[dreg:$0x0] =	wrdreg $0xFFFFFFFF;
	(pc) =	sbr.abs _section_cstart, $3  }
0xc1: {  	[dreg:$0x1] =	wrdreg $0xFFFFFFFF  }
0xc2: {  	_ =	task.clear_ibuf [dreg:s7], $0x2FFFF;
	_ =	strace $0x9FFFFFFF  }
0xc3: {  	(tm) =	ssettm $0x7FFFFFFF  }
tec
execute0_lowered:
.L_overlay_start_1:
0x0: {  	(tag) =	ssettag $0x1  }
0x1: {  	s1 =	rddreg [dreg:$0x0]  }
0x2: {  	s0 =	rddreg [dreg:$0x1]  }
0x3: {  	s2 =	rddreg [dreg:$0x2];
	s3 =	srdreg.scid;
	s4 =	simm.s32 $0x0  }
0x4: {  	s10 =	stileid.u32;
	s29 =	simm.s32 $0x100;
	s30 =	simm.s32 $0x7  }
0x5: {  	s31 =	simm.s32 $0x40;
	s28 =	simm.s32 $0x5;
	s8 =	smul.u32 $0x14000, s10  }
0x6: {  	s3 =	sand.u32 $0x1, s3;
	[smem:$0x7FF] =	sst s4;
	s9 =	smul.u32 $0x50000, s10  }
0x7: {  	s5 =	sadd.s32 $0x4F7800, s0;
	s6 =	sadd.s32 $0x4EDA00, s0;
	s10 =	sshll.u32 s10, $0x1  }
0x8: {  	s7 =	smul.u32 $0x140000, s3;
	_ =	strace $0x80000047;
	s9 =	sshrl.u32 s9, $0x2  }
0x9: {  	s14 =	ssub.s32 $0x2, s3;
	s3 =	sor.u32 s3, s10;
	s9 =	sadd.s32 s9, s2  }
0xa: {  	s10 =	simm.s32 $0x9;
	s11 =	sshrl.u32 s14, $0x1;
	s16 =	sadd.s32 $0x2000, s9  }
0xb: {  	s21 =	smul.u32 $0x28000, s3;
	s17 =	sadd.s32 $0x4000, s9;
	[dreg:$0x4] =	wrdreg s16  }
0xc: {  	s23 =	smul.u32 $0x500, s3;
	s18 =	sadd.s32 $0x6000, s9;
	[dreg:$0x5] =	wrdreg s17  }
0xd: {  	p0 =	seq.s32 s3, $0x1F;
	s19 =	sadd.s32 $0x8000, s9;
	[dreg:$0x6] =	wrdreg s18  }
0xe: {  	s8 =	sadd.s32 s8, s7;
	s20 =	sadd.s32 $0xA000, s9;
	[dreg:$0x7] =	wrdreg s19  }
0xf: {  	s7 =	sadd.s32 $0x4E3C00, s0;
	s12 =	sadd.s32 $0xC000, s9;
	[dreg:$0x8] =	wrdreg s20  }
0x10: {  	s15 =	ssub.s32 s14, s11;
	s22 =	sadd.s32 $0xE000, s9;
	[dreg:$0x9] =	wrdreg s12  }
0x11: {  	s14 =	simm.s32 $0x180;
	s13 =	sadd.s32 $0x10000, s9;
	[dreg:$0xa] =	wrdreg s22  }
0x12: {  	s8 =	sshrl.u32 s8, $0x3;
	s24 =	sadd.s32 $0x12000, s9;
	[dreg:$0xb] =	wrdreg s13  }
0x13: {  	s11 =	sadd.s32 s5, s21;
	s25 =	sadd.s32 s7, s23;
	[dreg:$0xc] =	wrdreg s24  }
0x14: {  	s26 =	sadd.s32 s6, s23;
	s23 =	smax.u32 s15, $0x1;
	[dreg:$0xd] =	wrdreg s11  }
.Ltmp0:
0x15: {  	s15 =	simm.s32 $0x2200;
	[dreg:$0xe] =	wrdreg s25;
	(pc) =	sbr.rel .LBB2_1-.Ltmp0, $4  }
0x16: {  	s0 =	sadd.s32 s8, s0;
	s8 =	smul.u32 $0xA0, s3;
	[dreg:$0xf] =	wrdreg s26  }
0x17: {  	s25 =	simm.s32 $0x200;
	s26 =	simm.s32 $0xB;
	s3 =	simm.s32 $0x3  }
0x18: {  	s11 =	simm.s32 $0x2;
	s12 =	simm.s32 $0x6;
	s13 =	simm.s32 $0x4  }
0x19: {  	v0 =	vimm.f32 $0.0e+00;
	s22 =	sadd.s32 $0x1C00, s0;
	s0 =	simm.s32 $0x1;
	s24 =	sor.u32 $0x2, s8  }
.LBB2_13:
0x1a: {  	s16 =	simm.s32 @!p0 $0xA  }
0x1b: {  	s21 =	stileid.u32;
	_ =	swait.ge @!p0 [sflag:s16], $0x2000  }
0x1c: {  	s17 =	sshrl.u32 s9, $0x3;
	s4 =	sadd.s32 $0x1, s4;
	[sflag:s16] =	ssyncset.done @!p0 $0x0  }
0x1d: {  	p1 =	sne.s32 s4, s23;
	[sflag:s16] =	ssyncadd.s32 @!p0 $0xFFFFE000;
	s16 =	sshll.u32 s21, $0x6  }
.Ltmp1:
0x1e: {  	[bflag:$0x0] =	sbarrier.arrive $0xFFFF;
	s16 =	sor.u32 $0x1C0B, s16;
	(pc) =	sbr.rel @!p1 .LBB2_14-.Ltmp1, $4  }
0x1f: {  	[hbm:s22], [sflag:s16] =	dma.local [spmem:s17], $0x2800  }
0x20: {  	_ =	swait.ge [sflag:s26], $0x2800  }
0x21: {  	[sflag:s26] =	ssyncset.done $0x0  }
0x22: {  	[sflag:s26] =	ssyncadd.s32 $0xFFFFD800  }
.LBB2_1:
0x23: {  	s16 =	simm.s32 $0x0;
	s17 =	simm.s32 $0x200  }
.LBB2_2:
0x24: {  	p1 =	sne.s32 s17, $0x7E00;
	[tilespmem:s16+$0x270] =	vst v0  }
0x25: {  	[tilespmem:s16+$0x200] =	vst v0  }
0x26: {  	[tilespmem:s16+$0x210] =	vst v0  }
.Ltmp2:
0x27: {  	[tilespmem:s16+$0x220] =	vst v0;
	(pc) =	sbr.rel @p1 .LBB2_2-.Ltmp2, $4  }
0x28: {  	[tilespmem:s16+$0x230] =	vst v0  }
0x29: {  	[tilespmem:s16+$0x240] =	vst v0  }
0x2a: {  	[tilespmem:s16+$0x250] =	vst v0  }
0x2b: {  	[tilespmem:s16+$0x260] =	vst v0;
	s16 =	sshra.s32 s17, $0x2;
	s17 =	sadd.s32 $0x200, s17  }
0x2c: {  	[tilespmem:s16+$0x270] =	vst v0  }
0x2d: {  	[tilespmem:s16+$0x200] =	vst v0  }
0x2e: {  	[tilespmem:s16+$0x210] =	vst v0  }
0x2f: {  	[tilespmem:s16+$0x220] =	vst v0  }
0x30: {  	[tilespmem:s16+$0x230] =	vst v0  }
0x31: {  	[tilespmem:s16+$0x240] =	vst v0  }
0x32: {  	[tilespmem:s16+$0x250] =	vst v0  }
0x33: {  	[tilespmem:s16+$0x260] =	vst v0  }
0x34: {  	[spmem:s9] =	stream.linear.scatter [tilespmem:s25], [sflag:$0xB], $0x2000, $0x38;
	[tilespmem:$0x1C200] =	vst v63  }
0x35: {  	_ =	swait.ge [sflag:s26], $0x2000  }
0x36: {  	[sflag:s26] =	ssyncset.done $0x0  }
0x37: {  	s21 =	rddreg [dreg:$0x4];
	[sflag:s26] =	ssyncadd.s32 $0xFFFFE000  }
0x38: {  	[spmem:s21] =	stream.linear.scatter [tilespmem:s25], [sflag:$0xB], $0x2000, $0x38;
	[tilespmem:$0x1C200] =	vst v63  }
0x39: {  	_ =	swait.ge [sflag:s26], $0x2000  }
0x3a: {  	[sflag:s26] =	ssyncset.done $0x0  }
0x3b: {  	s17 =	rddreg [dreg:$0x5];
	[sflag:s26] =	ssyncadd.s32 $0xFFFFE000  }
0x3c: {  	[spmem:s17] =	stream.linear.scatter [tilespmem:s25], [sflag:$0xB], $0x2000, $0x38;
	[tilespmem:$0x1C200] =	vst v63  }
0x3d: {  	_ =	swait.ge [sflag:s26], $0x2000  }
0x3e: {  	[sflag:s26] =	ssyncset.done $0x0  }
0x3f: {  	s18 =	rddreg [dreg:$0x6];
	[sflag:s26] =	ssyncadd.s32 $0xFFFFE000  }
0x40: {  	[spmem:s18] =	stream.linear.scatter [tilespmem:s25], [sflag:$0xB], $0x2000, $0x38;
	[tilespmem:$0x1C200] =	vst v63  }
0x41: {  	_ =	swait.ge [sflag:s26], $0x2000  }
0x42: {  	[sflag:s26] =	ssyncset.done $0x0  }
0x43: {  	s19 =	rddreg [dreg:$0x7];
	[sflag:s26] =	ssyncadd.s32 $0xFFFFE000  }
0x44: {  	[spmem:s19] =	stream.linear.scatter [tilespmem:s25], [sflag:$0xB], $0x2000, $0x38;
	[tilespmem:$0x1C200] =	vst v63  }
0x45: {  	_ =	swait.ge [sflag:s26], $0x2000  }
0x46: {  	[sflag:s26] =	ssyncset.done $0x0  }
0x47: {  	s20 =	rddreg [dreg:$0x8];
	[sflag:s26] =	ssyncadd.s32 $0xFFFFE000  }
0x48: {  	[spmem:s20] =	stream.linear.scatter [tilespmem:s25], [sflag:$0xB], $0x2000, $0x38;
	[tilespmem:$0x1C200] =	vst v63  }
0x49: {  	_ =	swait.ge [sflag:s26], $0x2000  }
0x4a: {  	[sflag:s26] =	ssyncset.done $0x0  }
0x4b: {  	s21 =	rddreg [dreg:$0x9];
	[sflag:s26] =	ssyncadd.s32 $0xFFFFE000  }
0x4c: {  	[spmem:s21] =	stream.linear.scatter [tilespmem:s25], [sflag:$0xB], $0x2000, $0x38;
	[tilespmem:$0x1C200] =	vst v63  }
0x4d: {  	_ =	swait.ge [sflag:s26], $0x2000  }
0x4e: {  	[sflag:s26] =	ssyncset.done $0x0  }
0x4f: {  	s17 =	rddreg [dreg:$0xa];
	[sflag:s26] =	ssyncadd.s32 $0xFFFFE000  }
0x50: {  	[spmem:s17] =	stream.linear.scatter [tilespmem:s25], [sflag:$0xB], $0x2000, $0x38;
	[tilespmem:$0x1C200] =	vst v63  }
0x51: {  	_ =	swait.ge [sflag:s26], $0x2000  }
0x52: {  	[sflag:s26] =	ssyncset.done $0x0  }
0x53: {  	s18 =	rddreg [dreg:$0xb];
	[sflag:s26] =	ssyncadd.s32 $0xFFFFE000  }
0x54: {  	[spmem:s18] =	stream.linear.scatter [tilespmem:s25], [sflag:$0xB], $0x2000, $0x38;
	[tilespmem:$0x1C200] =	vst v63  }
0x55: {  	_ =	swait.ge [sflag:s26], $0x2000  }
0x56: {  	[sflag:s26] =	ssyncset.done $0x0  }
0x57: {  	s19 =	rddreg [dreg:$0xc];
	[sflag:s26] =	ssyncadd.s32 $0xFFFFE000  }
0x58: {  	[spmem:s19] =	stream.linear.scatter [tilespmem:s25], [sflag:$0xB], $0x2000, $0x38;
	[tilespmem:$0x1C200] =	vst v63  }
0x59: {  	_ =	swait.ge [sflag:s26], $0x2000  }
0x5a: {  	[sflag:s26] =	ssyncset.done $0x0  }
0x5b: {  	[sflag:s26] =	ssyncadd.s32 $0xFFFFE000  }
0x5c: {  	[bflag:$0x0] =	sbarrier.arrive $0xFFFF  }
0x5d: {  	s16 =	simm.s32 $0x0;
	s18 =	simm.s32 $0x4200;
	s17 =	rddreg [dreg:$0xd]  }
0x5e: {  	[tilespmem:s18], [sflag:$0x1] =	stream.linear.gather [hbm4b:s17+s16], $0x2000, $0x38;
	[tilespmem:$0x1C200] =	vst v63  }
0x5f: {  	s20 =	rddreg [dreg:$0xe]  }
0x60: {  	[tilespmem:s29], [sflag:$0x5] =	stream.linear.gather [hbm4b:s20+s16], $0x40, $0x38;
	[tilespmem:$0x1C200] =	vst v63  }
0x61: {  	s21 =	rddreg [dreg:$0xf]  }
0x62: {  	[tilespmem:s16], [sflag:$0x7] =	stream.linear.gather [hbm4b:s21+s16], $0x40, $0x38;
	[tilespmem:$0x1C200] =	vst v63  }
.Ltmp3:
0x63: {  	_ = 	snop;
	(pc) =	sbr.rel .LBB2_4-.Ltmp3, $4  }
0x64: {  	_ =	swait.ge [sflag:s30], $0x40  }
0x65: {  	[sflag:s30] =	ssyncset.done $0x0  }
0x66: {  	[sflag:s30] =	ssyncadd.s32 $0xFFFFFFC0  }
0x67: {  	[tilespmem:s25], [sflag:$0x3] =	stream.indirect.gather [hbm4b:s1+s31], $0x80, s16, s31, $0xb8;
	[tilespmem:$0x1C200] =	vst v63  }
.LBB2_12:
0x68: {  	s16 =	sadd.s32 $0x1, s16  }
0x69: {  	p1 =	sne.s32 s16, $0x50  }
.Ltmp4:
0x6a: {  	_ = 	snop;
	(pc) =	sbr.rel @!p1 .LBB2_13-.Ltmp4, $1  }
0x6b: {  	_ =	sdelay $0x3  }
.LBB2_4:
0x6c: {  	s17 =	sshll.u32 s16, $0x1  }
0x6d: {  	s18 =	sadd.s32 s17, s8;
	s19 =	sadd.s32 $0xFFFFFFFE, s17  }
0x6e: {  	s18 =	sadd.s32 $0x1, s18;
	p1 =	sgt.u32 s19, $0x9F  }
0x6f: {  	p2 =	sgt.u32 @!p1 s18, $0x1389  }
0x70: {  	p2 =	por p2, p1  }
0x71: {  	s19 =	simm.s32 @!p2 $0xA  }
0x72: {  	_ =	swait.ge @!p2 [sflag:s19], $0x2000  }
0x73: {  	p1 =	sgt.u32 s18, $0x1387;
	[sflag:s19] =	ssyncset.done @!p2 $0x0  }
0x74: {  	s20 =	simm.s32 @!p1 $0x0;
	[sflag:s19] =	ssyncadd.s32 @!p2 $0xFFFFE000;
	s19 =	sshll.u32 @!p1 s18, $0xA  }
0x75: {  	s21 =	simm.s32 @!p1 $0x6200;
	s18 =	sshll.u32 @!p1 s18, $0x3;
	s19 =	sadd.s32 @!p1 s5, s19  }
0x76: {  	[tilespmem:s21], [sflag:$0x2] =	stream.linear.gather @!p1 [hbm4b:s19+s20], $0x2000, $0x38;
	[tilespmem:$0x1C200] =	vst v63  }
0x77: {  	s19 =	sadd.s32 @!p1 s7, s18;
	s21 =	simm.s32 @!p1 $0x180  }
0x78: {  	[tilespmem:s21], [sflag:$0x6] =	stream.linear.gather @!p1 [hbm4b:s19+s20], $0x40, $0x38;
	[tilespmem:$0x1C200] =	vst v63  }
0x79: {  	s21 =	sadd.s32 s8, s17  }
0x7a: {  	s18 =	sadd.s32 @!p1 s6, s18;
	s19 =	simm.s32 @!p1 $0x80;
	p2 =	sgt.u32 s21, $0x1387  }
0x7b: {  	[tilespmem:s19], [sflag:$0x8] =	stream.linear.gather @!p1 [hbm4b:s18+s20], $0x40, $0x38;
	[tilespmem:$0x1C200] =	vst v63  }
.Ltmp5:
0x7c: {  	s18 =	simm.s32 @!p1 $0x8;
	(pc) =	sbr.rel @p2 .LBB2_8-.Ltmp5, $4  }
0x7d: {  	_ =	swait.ge @!p1 [sflag:s18], $0x40  }
0x7e: {  	[sflag:s18] =	ssyncset.done @!p1 $0x0  }
0x7f: {  	s20 =	simm.s32 @!p1 $0x2200;
	[sflag:s18] =	ssyncadd.s32 @!p1 $0xFFFFFFC0;
	s18 =	simm.s32 @!p1 $0x40  }
0x80: {  	[tilespmem:s20], [sflag:$0x4] =	stream.indirect.gather @!p1 [hbm4b:s1+s18], $0x80, s19, s18, $0xb8;
	[tilespmem:$0x1C200] =	vst v63  }
0x81: {  	_ =	swait.ge [sflag:s0], $0x2000  }
0x82: {  	[sflag:s0] =	ssyncset.done $0x0  }
0x83: {  	[sflag:s0] =	ssyncadd.s32 $0xFFFFE000  }
0x84: {  	_ =	swait.ge [sflag:s28], $0x40  }
0x85: {  	[sflag:s28] =	ssyncset.done $0x0  }
0x86: {  	[sflag:s28] =	ssyncadd.s32 $0xFFFFFFC0  }
0x87: {  	_ =	swait.ge [sflag:s3], $0x2000  }
0x88: {  	[sflag:s3] =	ssyncset.done $0x0  }
0x89: {  	s18 =	simm.s32 $0x0;
	[sflag:s3] =	ssyncadd.s32 $0xFFFFE000  }
0x8a: {  	v7 =	vld [tilespmem:s18+$0x4200]  }
0x8b: {  	v8 =	vld [tilespmem:s18+$0x4210]  }
0x8c: {  	v9 =	vld [tilespmem:s18+$0x4220]  }
0x8d: {  	v10 =	vld [tilespmem:s18+$0x4230]  }
0x8e: {  	v11 =	vld [tilespmem:s18+$0x4240]  }
0x8f: {  	v12 =	vld [tilespmem:s18+$0x4250]  }
0x90: {  	v13 =	vld [tilespmem:s18+$0x4260]  }
0x91: {  	v14 =	vld [tilespmem:s18+$0x4270]  }
0x92: {  	v15 =	vld [tilespmem:s18+$0x4280]  }
0x93: {  	v16 =	vld [tilespmem:s18+$0x4290]  }
0x94: {  	v6 =	vld [tilespmem:s18+$0x42A0]  }
0x95: {  	v5 =	vld [tilespmem:s18+$0x42B0]  }
0x96: {  	v4 =	vld [tilespmem:s18+$0x42C0]  }
0x97: {  	v17 =	vld [tilespmem:s18+$0x200]  }
0x98: {  	v18 =	vld [tilespmem:s18+$0x210]  }
0x99: {  	v3 =	vld [tilespmem:s18+$0x42D0]  }
0x9a: {  	v19 =	vld [tilespmem:s18+$0x220]  }
0x9b: {  	v20 =	vld [tilespmem:s18+$0x230]  }
0x9c: {  	v2 =	vld [tilespmem:s18+$0x42E0];
	v7 =	vadd.f32 v7, v17  }
0x9d: {  	v21 =	vld [tilespmem:s18+$0x240];
	v8 =	vadd.f32 v8, v18  }
0x9e: {  	v60 =	vld [tilespmem:s18+$0x250];
	v7 =	vmax.f32 v7, $0.0e+00  }
0x9f: {  	v1 =	vld [tilespmem:s18+$0x42F0];
	v8 =	vmax.f32 v8, $0.0e+00;
	[tilespmem:s18+$0x200] =	vst v7;
	v7 =	vadd.f32 v9, v19  }
0xa0: {  	v22 =	vld [tilespmem:s18+$0x260];
	[tilespmem:s18+$0x210] =	vst v8;
	v8 =	vadd.f32 v10, v20  }
0xa1: {  	v61 =	vld [tilespmem:s18+$0x270];
	v7 =	vmax.f32 v7, $0.0e+00  }
0xa2: {  	v62 =	vld [tilespmem:s18+$0x280];
	v9 =	vmax.f32 v8, $0.0e+00;
	[tilespmem:s18+$0x220] =	vst v7;
	v7 =	vadd.f32 v11, v21  }
0xa3: {  	v63 =	vld [tilespmem:s18+$0x290];
	[tilespmem:s18+$0x230] =	vst v9;
	v9 =	vadd.f32 v12, v60  }
0xa4: {  	v8 =	vld [tilespmem:s18+$0x2A0];
	v10 =	vmax.f32 v7, $0.0e+00  }
0xa5: {  	v7 =	vld [tilespmem:s18+$0x2B0];
	v11 =	vmax.f32 v9, $0.0e+00;
	[tilespmem:s18+$0x240] =	vst v10;
	v10 =	vadd.f32 v13, v22  }
0xa6: {  	v9 =	vld [tilespmem:s18+$0x2C0];
	[tilespmem:s18+$0x250] =	vst v11;
	v11 =	vadd.f32 v14, v61  }
0xa7: {  	v13 =	vadd.f32 v15, v62;
	v12 =	vmax.f32 v10, $0.0e+00;
	v10 =	vld [tilespmem:s18+$0x2D0]  }
0xa8: {  	s19 =	simm.s32 $0x400;
	v14 =	vmax.f32 v11, $0.0e+00;
	v11 =	vld [tilespmem:s18+$0x2E0];
	[tilespmem:s18+$0x260] =	vst v12;
	v12 =	vadd.f32 v16, v63  }
.LBB2_6:
0xa9: {  	s20 =	sshra.s32 s19, $0x2;
	p2 =	sne.s32 s19, $0x7C00;
	[tilespmem:s18+$0x270] =	vst v14;
	v13 =	vmax.f32 v13, $0.0e+00;
	v6 =	vadd.f32 v6, v8;
	v8 =	vld [tilespmem:s18+$0x2F0]  }
0xaa: {  	v14 =	vld [tilespmem:s20+$0x4200];
	[tilespmem:s18+$0x280] =	vst v13;
	v12 =	vmax.f32 v12, $0.0e+00;
	v5 =	vadd.f32 v5, v7  }
0xab: {  	v7 =	vld [tilespmem:s20+$0x4210];
	[tilespmem:s18+$0x290] =	vst v12;
	v6 =	vmax.f32 v6, $0.0e+00;
	v4 =	vadd.f32 v4, v9  }
0xac: {  	v9 =	vld [tilespmem:s20+$0x4220];
	[tilespmem:s18+$0x2A0] =	vst v6;
	v5 =	vmax.f32 v5, $0.0e+00;
	v3 =	vadd.f32 v3, v10  }
0xad: {  	v10 =	vld [tilespmem:s20+$0x4230];
	[tilespmem:s18+$0x2B0] =	vst v5;
	v4 =	vmax.f32 v4, $0.0e+00;
	v2 =	vadd.f32 v2, v11  }
0xae: {  	v11 =	vld [tilespmem:s20+$0x4240];
	[tilespmem:s18+$0x2C0] =	vst v4;
	v3 =	vmax.f32 v3, $0.0e+00;
	v1 =	vadd.f32 v1, v8  }
0xaf: {  	v8 =	vld [tilespmem:s20+$0x4250];
	[tilespmem:s18+$0x2D0] =	vst v3;
	v2 =	vmax.f32 v2, $0.0e+00  }
0xb0: {  	v12 =	vld [tilespmem:s20+$0x4260];
	[tilespmem:s18+$0x2E0] =	vst v2;
	v1 =	vmax.f32 v1, $0.0e+00  }
0xb1: {  	v13 =	vld [tilespmem:s20+$0x4270];
	[tilespmem:s18+$0x2F0] =	vst v1;
	s18 =	smov.u32 s20  }
0xb2: {  	v15 =	vld [tilespmem:s18+$0x4280]  }
0xb3: {  	v16 =	vld [tilespmem:s18+$0x4290]  }
0xb4: {  	v6 =	vld [tilespmem:s18+$0x42A0]  }
0xb5: {  	v5 =	vld [tilespmem:s18+$0x42B0]  }
0xb6: {  	v4 =	vld [tilespmem:s18+$0x42C0]  }
0xb7: {  	v3 =	vld [tilespmem:s18+$0x42D0]  }
0xb8: {  	v2 =	vld [tilespmem:s18+$0x42E0]  }
0xb9: {  	v1 =	vld [tilespmem:s18+$0x42F0]  }
0xba: {  	v17 =	vld [tilespmem:s18+$0x200]  }
0xbb: {  	v18 =	vld [tilespmem:s18+$0x210]  }
0xbc: {  	v19 =	vld [tilespmem:s18+$0x220]  }
0xbd: {  	v20 =	vld [tilespmem:s18+$0x230]  }
0xbe: {  	v21 =	vld [tilespmem:s18+$0x240]  }
0xbf: {  	v14 =	vadd.f32 v14, v17;
	v17 =	vld [tilespmem:s18+$0x250]  }
0xc0: {  	v7 =	vadd.f32 v7, v18;
	v18 =	vld [tilespmem:s18+$0x260]  }
0xc1: {  	v14 =	vmax.f32 v14, $0.0e+00;
	v9 =	vadd.f32 v9, v19;
	v19 =	vld [tilespmem:s18+$0x270]  }
0xc2: {  	[tilespmem:s18+$0x200] =	vst v14;
	v7 =	vmax.f32 v7, $0.0e+00;
	v10 =	vadd.f32 v10, v20;
	v14 =	vld [tilespmem:s18+$0x280]  }
0xc3: {  	[tilespmem:s18+$0x210] =	vst v7;
	v7 =	vmax.f32 v9, $0.0e+00;
	v9 =	vadd.f32 v11, v21;
	v11 =	vld [tilespmem:s18+$0x290]  }
.Ltmp6:
0xc4: {  	[tilespmem:s18+$0x220] =	vst v7;
	v7 =	vmax.f32 v10, $0.0e+00;
	v10 =	vadd.f32 v8, v17;
	v8 =	vld [tilespmem:s18+$0x2A0];
	(pc) =	sbr.rel @p2 .LBB2_6-.Ltmp6, $4  }
0xc5: {  	[tilespmem:s18+$0x230] =	vst v7;
	v9 =	vmax.f32 v9, $0.0e+00;
	v12 =	vadd.f32 v12, v18;
	v7 =	vld [tilespmem:s18+$0x2B0]  }
0xc6: {  	[tilespmem:s18+$0x240] =	vst v9;
	v10 =	vmax.f32 v10, $0.0e+00;
	v17 =	vadd.f32 v13, v19;
	v9 =	vld [tilespmem:s18+$0x2C0]  }
0xc7: {  	[tilespmem:s18+$0x250] =	vst v10;
	v12 =	vmax.f32 v12, $0.0e+00;
	v13 =	vadd.f32 v15, v14;
	v10 =	vld [tilespmem:s18+$0x2D0]  }
0xc8: {  	s19 =	sadd.s32 $0x400, s19;
	[tilespmem:s18+$0x260] =	vst v12;
	v14 =	vmax.f32 v17, $0.0e+00;
	v12 =	vadd.f32 v16, v11;
	v11 =	vld [tilespmem:s18+$0x2E0]  }
0xc9: {  	[tilespmem:s18+$0x270] =	vst v14;
	v13 =	vmax.f32 v13, $0.0e+00;
	v6 =	vadd.f32 v6, v8;
	v63 =	vld [tilespmem:s18+$0x2F0]  }
0xca: {  	[tilespmem:s18+$0x280] =	vst v13;
	v12 =	vmax.f32 v12, $0.0e+00;
	v5 =	vadd.f32 v5, v7  }
0xcb: {  	[tilespmem:s18+$0x290] =	vst v12;
	v6 =	vmax.f32 v6, $0.0e+00;
	v4 =	vadd.f32 v4, v9  }
0xcc: {  	[tilespmem:s18+$0x2A0] =	vst v6;
	v5 =	vmax.f32 v5, $0.0e+00;
	v3 =	vadd.f32 v3, v10  }
0xcd: {  	[tilespmem:s18+$0x2B0] =	vst v5;
	v4 =	vmax.f32 v4, $0.0e+00;
	v2 =	vadd.f32 v2, v11  }
0xce: {  	[tilespmem:s18+$0x2C0] =	vst v4;
	v3 =	vmax.f32 v3, $0.0e+00;
	v1 =	vadd.f32 v1, v63  }
0xcf: {  	[tilespmem:s18+$0x2D0] =	vst v3;
	v2 =	vmax.f32 v2, $0.0e+00  }
0xd0: {  	[tilespmem:s18+$0x2E0] =	vst v2;
	v1 =	vmax.f32 v1, $0.0e+00  }
0xd1: {  	[tilespmem:s18+$0x2F0] =	vst v1  }
0xd2: {  	[spmem:s2] =	stream.indirect.scatter.add.f32 [tilespmem:s25], [sflag:$0x9], $0x80, s29, s31, $0xb8;
	[tilespmem:$0x1C200] =	vst v63  }
0xd3: {  	_ =	swait.ge [sflag:s10], $0x2000  }
0xd4: {  	[sflag:s10] =	ssyncset.done $0x0  }
0xd5: {  	[sflag:s10] =	ssyncadd.s32 $0xFFFFE000  }
.LBB2_8:
0xd6: {  	s17 =	sadd.s32 s17, s24;
	p2 =	seq.s32 s16, $0x4F  }
0xd7: {  	p3 =	sgt.u32 @!p2 s17, $0x1387  }
0xd8: {  	p2 =	por p3, p2  }
0xd9: {  	s18 =	sshll.u32 @!p2 s17, $0xA;
	s19 =	simm.s32 @!p2 $0x0  }
0xda: {  	s20 =	simm.s32 @!p2 $0x4200;
	s17 =	sshll.u32 @!p2 s17, $0x3;
	s18 =	sadd.s32 @!p2 s5, s18  }
0xdb: {  	[tilespmem:s20], [sflag:$0x1] =	stream.linear.gather @!p2 [hbm4b:s18+s19], $0x2000, $0x38;
	[tilespmem:$0x1C200] =	vst v63  }
0xdc: {  	s18 =	sadd.s32 @!p2 s7, s17;
	s20 =	simm.s32 @!p2 $0x100  }
0xdd: {  	[tilespmem:s20], [sflag:$0x5] =	stream.linear.gather @!p2 [hbm4b:s18+s19], $0x40, $0x38;
	[tilespmem:$0x1C200] =	vst v63  }
0xde: {  	s17 =	sadd.s32 @!p2 s6, s17  }
0xdf: {  	[tilespmem:s19], [sflag:$0x7] =	stream.linear.gather @!p2 [hbm4b:s17+s19], $0x40, $0x38;
	[tilespmem:$0x1C200] =	vst v63  }
.Ltmp7:
0xe0: {  	s17 =	simm.s32 @!p2 $0x7;
	(pc) =	sbr.rel @p1 .LBB2_12-.Ltmp7, $4  }
0xe1: {  	_ =	swait.ge @!p2 [sflag:s17], $0x40  }
0xe2: {  	[sflag:s17] =	ssyncset.done @!p2 $0x0  }
0xe3: {  	s18 =	simm.s32 @!p2 $0x200;
	[sflag:s17] =	ssyncadd.s32 @!p2 $0xFFFFFFC0;
	s17 =	simm.s32 @!p2 $0x40  }
0xe4: {  	[tilespmem:s18], [sflag:$0x3] =	stream.indirect.gather @!p2 [hbm4b:s1+s17], $0x80, s19, s17, $0xb8;
	[tilespmem:$0x1C200] =	vst v63  }
0xe5: {  	_ =	swait.ge [sflag:s11], $0x2000  }
0xe6: {  	[sflag:s11] =	ssyncset.done $0x0  }
0xe7: {  	[sflag:s11] =	ssyncadd.s32 $0xFFFFE000  }
0xe8: {  	_ =	swait.ge [sflag:s12], $0x40  }
0xe9: {  	[sflag:s12] =	ssyncset.done $0x0  }
0xea: {  	[sflag:s12] =	ssyncadd.s32 $0xFFFFFFC0  }
0xeb: {  	_ =	swait.ge [sflag:s13], $0x2000  }
0xec: {  	[sflag:s13] =	ssyncset.done $0x0  }
0xed: {  	s17 =	simm.s32 $0x0;
	[sflag:s13] =	ssyncadd.s32 $0xFFFFE000  }
0xee: {  	v7 =	vld [tilespmem:s17+$0x6200]  }
0xef: {  	v8 =	vld [tilespmem:s17+$0x6210]  }
0xf0: {  	v9 =	vld [tilespmem:s17+$0x6220]  }
0xf1: {  	v10 =	vld [tilespmem:s17+$0x6230]  }
0xf2: {  	v11 =	vld [tilespmem:s17+$0x6240]  }
0xf3: {  	v12 =	vld [tilespmem:s17+$0x6250]  }
0xf4: {  	v13 =	vld [tilespmem:s17+$0x6260]  }
0xf5: {  	v14 =	vld [tilespmem:s17+$0x6270]  }
0xf6: {  	v15 =	vld [tilespmem:s17+$0x6280]  }
0xf7: {  	v16 =	vld [tilespmem:s17+$0x6290]  }
0xf8: {  	v6 =	vld [tilespmem:s17+$0x62A0]  }
0xf9: {  	v5 =	vld [tilespmem:s17+$0x62B0]  }
0xfa: {  	v4 =	vld [tilespmem:s17+$0x62C0]  }
0xfb: {  	v17 =	vld [tilespmem:s17+$0x2200]  }
0xfc: {  	v18 =	vld [tilespmem:s17+$0x2210]  }
0xfd: {  	v3 =	vld [tilespmem:s17+$0x62D0]  }
0xfe: {  	v19 =	vld [tilespmem:s17+$0x2220]  }
0xff: {  	v20 =	vld [tilespmem:s17+$0x2230]  }
0x100: {  	v2 =	vld [tilespmem:s17+$0x62E0];
	v7 =	vadd.f32 v7, v17  }
0x101: {  	v21 =	vld [tilespmem:s17+$0x2240];
	v8 =	vadd.f32 v8, v18  }
0x102: {  	v60 =	vld [tilespmem:s17+$0x2250];
	v7 =	vmax.f32 v7, $0.0e+00  }
0x103: {  	v1 =	vld [tilespmem:s17+$0x62F0];
	v8 =	vmax.f32 v8, $0.0e+00;
	[tilespmem:s17+$0x2200] =	vst v7;
	v7 =	vadd.f32 v9, v19  }
0x104: {  	v22 =	vld [tilespmem:s17+$0x2260];
	[tilespmem:s17+$0x2210] =	vst v8;
	v8 =	vadd.f32 v10, v20  }
0x105: {  	v61 =	vld [tilespmem:s17+$0x2270];
	v7 =	vmax.f32 v7, $0.0e+00  }
0x106: {  	v62 =	vld [tilespmem:s17+$0x2280];
	v9 =	vmax.f32 v8, $0.0e+00;
	[tilespmem:s17+$0x2220] =	vst v7;
	v7 =	vadd.f32 v11, v21  }
0x107: {  	v63 =	vld [tilespmem:s17+$0x2290];
	[tilespmem:s17+$0x2230] =	vst v9;
	v9 =	vadd.f32 v12, v60  }
0x108: {  	v8 =	vld [tilespmem:s17+$0x22A0];
	v10 =	vmax.f32 v7, $0.0e+00  }
0x109: {  	v7 =	vld [tilespmem:s17+$0x22B0];
	v11 =	vmax.f32 v9, $0.0e+00;
	[tilespmem:s17+$0x2240] =	vst v10;
	v10 =	vadd.f32 v13, v22  }
0x10a: {  	v9 =	vld [tilespmem:s17+$0x22C0];
	[tilespmem:s17+$0x2250] =	vst v11;
	v11 =	vadd.f32 v14, v61  }
0x10b: {  	v13 =	vadd.f32 v15, v62;
	v12 =	vmax.f32 v10, $0.0e+00;
	v10 =	vld [tilespmem:s17+$0x22D0]  }
0x10c: {  	s18 =	simm.s32 $0x400;
	v14 =	vmax.f32 v11, $0.0e+00;
	v11 =	vld [tilespmem:s17+$0x22E0];
	[tilespmem:s17+$0x2260] =	vst v12;
	v12 =	vadd.f32 v16, v63  }
.LBB2_10:
0x10d: {  	s19 =	sshra.s32 s18, $0x2;
	p1 =	sne.s32 s18, $0x7C00;
	[tilespmem:s17+$0x2270] =	vst v14;
	v13 =	vmax.f32 v13, $0.0e+00;
	v6 =	vadd.f32 v6, v8;
	v8 =	vld [tilespmem:s17+$0x22F0]  }
0x10e: {  	v14 =	vld [tilespmem:s19+$0x6200];
	[tilespmem:s17+$0x2280] =	vst v13;
	v12 =	vmax.f32 v12, $0.0e+00;
	v5 =	vadd.f32 v5, v7  }
0x10f: {  	v7 =	vld [tilespmem:s19+$0x6210];
	[tilespmem:s17+$0x2290] =	vst v12;
	v6 =	vmax.f32 v6, $0.0e+00;
	v4 =	vadd.f32 v4, v9  }
0x110: {  	v9 =	vld [tilespmem:s19+$0x6220];
	[tilespmem:s17+$0x22A0] =	vst v6;
	v5 =	vmax.f32 v5, $0.0e+00;
	v3 =	vadd.f32 v3, v10  }
0x111: {  	v10 =	vld [tilespmem:s19+$0x6230];
	[tilespmem:s17+$0x22B0] =	vst v5;
	v4 =	vmax.f32 v4, $0.0e+00;
	v2 =	vadd.f32 v2, v11  }
0x112: {  	v11 =	vld [tilespmem:s19+$0x6240];
	[tilespmem:s17+$0x22C0] =	vst v4;
	v3 =	vmax.f32 v3, $0.0e+00;
	v1 =	vadd.f32 v1, v8  }
0x113: {  	v8 =	vld [tilespmem:s19+$0x6250];
	[tilespmem:s17+$0x22D0] =	vst v3;
	v2 =	vmax.f32 v2, $0.0e+00  }
0x114: {  	v12 =	vld [tilespmem:s19+$0x6260];
	[tilespmem:s17+$0x22E0] =	vst v2;
	v1 =	vmax.f32 v1, $0.0e+00  }
0x115: {  	v13 =	vld [tilespmem:s19+$0x6270];
	[tilespmem:s17+$0x22F0] =	vst v1;
	s17 =	smov.u32 s19  }
0x116: {  	v15 =	vld [tilespmem:s17+$0x6280]  }
0x117: {  	v16 =	vld [tilespmem:s17+$0x6290]  }
0x118: {  	v6 =	vld [tilespmem:s17+$0x62A0]  }
0x119: {  	v5 =	vld [tilespmem:s17+$0x62B0]  }
0x11a: {  	v4 =	vld [tilespmem:s17+$0x62C0]  }
0x11b: {  	v3 =	vld [tilespmem:s17+$0x62D0]  }
0x11c: {  	v2 =	vld [tilespmem:s17+$0x62E0]  }
0x11d: {  	v1 =	vld [tilespmem:s17+$0x62F0]  }
0x11e: {  	v17 =	vld [tilespmem:s17+$0x2200]  }
0x11f: {  	v18 =	vld [tilespmem:s17+$0x2210]  }
0x120: {  	v19 =	vld [tilespmem:s17+$0x2220]  }
0x121: {  	v20 =	vld [tilespmem:s17+$0x2230]  }
0x122: {  	v21 =	vld [tilespmem:s17+$0x2240]  }
0x123: {  	v14 =	vadd.f32 v14, v17;
	v17 =	vld [tilespmem:s17+$0x2250]  }
0x124: {  	v7 =	vadd.f32 v7, v18;
	v18 =	vld [tilespmem:s17+$0x2260]  }
0x125: {  	v14 =	vmax.f32 v14, $0.0e+00;
	v9 =	vadd.f32 v9, v19;
	v19 =	vld [tilespmem:s17+$0x2270]  }
0x126: {  	[tilespmem:s17+$0x2200] =	vst v14;
	v7 =	vmax.f32 v7, $0.0e+00;
	v10 =	vadd.f32 v10, v20;
	v14 =	vld [tilespmem:s17+$0x2280]  }
0x127: {  	[tilespmem:s17+$0x2210] =	vst v7;
	v7 =	vmax.f32 v9, $0.0e+00;
	v9 =	vadd.f32 v11, v21;
	v11 =	vld [tilespmem:s17+$0x2290]  }
.Ltmp8:
0x128: {  	[tilespmem:s17+$0x2220] =	vst v7;
	v7 =	vmax.f32 v10, $0.0e+00;
	v10 =	vadd.f32 v8, v17;
	v8 =	vld [tilespmem:s17+$0x22A0];
	(pc) =	sbr.rel @p1 .LBB2_10-.Ltmp8, $4  }
0x129: {  	[tilespmem:s17+$0x2230] =	vst v7;
	v9 =	vmax.f32 v9, $0.0e+00;
	v12 =	vadd.f32 v12, v18;
	v7 =	vld [tilespmem:s17+$0x22B0]  }
0x12a: {  	[tilespmem:s17+$0x2240] =	vst v9;
	v10 =	vmax.f32 v10, $0.0e+00;
	v17 =	vadd.f32 v13, v19;
	v9 =	vld [tilespmem:s17+$0x22C0]  }
0x12b: {  	[tilespmem:s17+$0x2250] =	vst v10;
	v12 =	vmax.f32 v12, $0.0e+00;
	v13 =	vadd.f32 v15, v14;
	v10 =	vld [tilespmem:s17+$0x22D0]  }
0x12c: {  	s18 =	sadd.s32 $0x400, s18;
	[tilespmem:s17+$0x2260] =	vst v12;
	v14 =	vmax.f32 v17, $0.0e+00;
	v12 =	vadd.f32 v16, v11;
	v11 =	vld [tilespmem:s17+$0x22E0]  }
0x12d: {  	[tilespmem:s17+$0x2270] =	vst v14;
	v13 =	vmax.f32 v13, $0.0e+00;
	v6 =	vadd.f32 v6, v8;
	v63 =	vld [tilespmem:s17+$0x22F0]  }
0x12e: {  	[tilespmem:s17+$0x2280] =	vst v13;
	v12 =	vmax.f32 v12, $0.0e+00;
	v5 =	vadd.f32 v5, v7  }
0x12f: {  	[tilespmem:s17+$0x2290] =	vst v12;
	v6 =	vmax.f32 v6, $0.0e+00;
	v4 =	vadd.f32 v4, v9  }
0x130: {  	[tilespmem:s17+$0x22A0] =	vst v6;
	v5 =	vmax.f32 v5, $0.0e+00;
	v3 =	vadd.f32 v3, v10  }
0x131: {  	[tilespmem:s17+$0x22B0] =	vst v5;
	v4 =	vmax.f32 v4, $0.0e+00;
	v2 =	vadd.f32 v2, v11  }
.Ltmp9:
0x132: {  	[tilespmem:s17+$0x22C0] =	vst v4;
	v3 =	vmax.f32 v3, $0.0e+00;
	v1 =	vadd.f32 v1, v63;
	(pc) =	sbr.rel .LBB2_12-.Ltmp9, $4  }
0x133: {  	[tilespmem:s17+$0x22D0] =	vst v3;
	v2 =	vmax.f32 v2, $0.0e+00  }
0x134: {  	[tilespmem:s17+$0x22E0] =	vst v2;
	v1 =	vmax.f32 v1, $0.0e+00  }
0x135: {  	[tilespmem:s17+$0x22F0] =	vst v1  }
0x136: {  	[spmem:s2] =	stream.indirect.scatter.add.f32 [tilespmem:s15], [sflag:$0xA], $0x80, s14, s31, $0xb8;
	[tilespmem:$0x1C200] =	vst v63  }
.LBB2_14:
0x137: {  	_ =	sfence.sel $0x180000  }
0x138: {  	[bflag:$0x0] =	sbarrier.arrive $0xFFFF  }
0x139: {  	_ =	strace $0x90000047  }
0x13a: {  	s0 =	stileid.u32;
	[bflag:$0x2] =	sbarrier.arrive $0xFFFF  }
0x13b: {  	p0 =	sne.s32 s0, $0x0;
	s0 =	rddreg [dreg:$0x3]  }
0x13c: {  	s0 =	sadd.s32 @!p0 $0x100000, s0  }
0x13d: {  	[sflag:s0] =	ssyncadd.tile.s32 @!p0 $0x1;
	_ =	shalt  }
.Lfunc_end2:
_tile_overlayer_lowered:
.L_overlay_start_2:
0x13e: {  	(tag) =	ssettag $0x2  }
0x13f: {  	s0 =	rddreg [dreg:$0x0];
	s2 =	stileid.u32  }
0x140: {  	s1 =	rddreg [dreg:$0x1];
	p0 =	sne.s32 s2, $0x0  }
0x141: {  	s3 =	rddreg [dreg:$0x2];
	[bflag:$0x3] =	sbarrier.arrive $0xFFFF;
	s2 =	simm.s32 @!p0 $0x1C0B  }
0x142: {  	[timem:s3], [sflag:s2] =	dma.local @!p0 [hbm:s0], s1  }
0x143: {  	s0 =	simm.s32 @!p0 $0xB  }
0x144: {  	_ =	swait.ge @!p0 [sflag:s0], s1  }
0x145: {  	s1 =	ssub.s32 @!p0 $0x0, s1;
	[sflag:s0] =	ssyncset.done @!p0 $0x0  }
0x146: {  	[sflag:s0] =	ssyncadd.s32 @!p0 s1  }
0x147: {  	[bflag:$0x3] =	sbarrier.arrive $0xFFFF  }
0x148: {  	_ =	shalt  }

</sc_bundles>
